<compile_context>
chip_gen: v7x
topology: tpu7x:2x2x1
jax: 0.10.2.dev20260603
libtpu: 0.0.44.dev20260713+nightly
codegen_flags: <defaults>
</compile_context>

<pallas_src>
import functools
import math

import jax
import jax.numpy as jnp
from jax import lax
from jax.experimental import pallas as pl
from jax.experimental.pallas import tpu as pltpu
from jax.experimental.pallas import tpu_sc as plsc

_REACH = 2.0
_EPS = 1e-6
_G = 16
_BM = 256
_CHUNK = 128
_D = 16


def _rotmats_host(theta):
    cx, sx = jnp.cos(theta[:, 0]), jnp.sin(theta[:, 0])
    cy, sy = jnp.cos(theta[:, 1]), jnp.sin(theta[:, 1])
    cz, sz = jnp.cos(theta[:, 2]), jnp.sin(theta[:, 2])
    one = jnp.ones_like(cx)
    zero = jnp.zeros_like(cx)
    Rx = jnp.stack([jnp.stack([one, zero, zero], -1),
                    jnp.stack([zero, cx, -sx], -1),
                    jnp.stack([zero, sx, cx], -1)], -2)
    Ry = jnp.stack([jnp.stack([cy, zero, sy], -1),
                    jnp.stack([zero, one, zero], -1),
                    jnp.stack([-sy, zero, cy], -1)], -2)
    Rz = jnp.stack([jnp.stack([cz, -sz, zero], -1),
                    jnp.stack([sz, cz, zero], -1),
                    jnp.stack([zero, zero, one], -1)], -2)
    return jnp.einsum('gij,gjk,gkl->gil', Rz, Ry, Rx)


def _make_sc_gather(n_rows, total, num_workers):
    per_w = total // num_workers
    n_vec = per_w // 16
    mesh = plsc.VectorSubcoreMesh(core_axis_name="c", subcore_axis_name="s")

    @functools.partial(
        pl.kernel, mesh=mesh,
        compiler_params=pltpu.CompilerParams(needs_layout_passes=False),
        out_type=jax.ShapeDtypeStruct((3 * total,), jnp.float32),
        scratch_types=[
            pltpu.VMEM((per_w,), jnp.int32),
            pltpu.VMEM((n_rows,), jnp.float32),
            pltpu.VMEM((per_w,), jnp.float32),
        ],
    )
    def sc_gather(idx_hbm, table_hbm, out_hbm, idx_v, tab_v, out_v):
        wid = lax.axis_index("s") * 2 + lax.axis_index("c")
        base = wid * per_w
        pltpu.sync_copy(idx_hbm.at[pl.ds(base, per_w)], idx_v)
        for c in range(3):
            pltpu.sync_copy(table_hbm.at[pl.ds(c * n_rows, n_rows)], tab_v)

            def body(i, carry):
                idx = idx_v[pl.ds(i * 16, 16)]
                out_v[pl.ds(i * 16, 16)] = plsc.load_gather(tab_v, [idx])
                return carry

            lax.fori_loop(0, n_vec, body, 0)
            pltpu.sync_copy(out_v, out_hbm.at[pl.ds(c * total + base, per_w)])

    return sc_gather


def _eval_fam(px, py, pz, g, prm_ref):
    fam, j = g // 4, g % 4
    r2 = px * px + py * py
    if fam == 0:
        r = prm_ref[0, j]
        return jnp.exp(-r2 / (2.0 * r * r + _EPS))
    if fam == 1:
        r = prm_ref[1, j]
        rz = jnp.abs(r) * jnp.clip((pz + _REACH) / (2.0 * _REACH), 0.05, 1.0)
        return jnp.exp(-r2 / (2.0 * rz * rz + _EPS))
    if fam == 2:
        r = prm_ref[2, j]
        w = prm_ref[3, j]
        return (jnp.exp(-r2 / (2.0 * r * r + _EPS))
                * jnp.exp(-pz * pz / (2.0 * w * w + _EPS)))
    ex = prm_ref[4, j]
    ey = prm_ref[5, j]
    ez = prm_ref[6, j]
    return jnp.exp(-0.5 * (px * px / (ex * ex + _EPS)
                           + py * py / (ey * ey + _EPS)
                           + pz * pz / (ez * ez + _EPS)))


def _tc_body(sup_ref, q_ref, mc_ref, r9_ref, prm_ref, lam_ref, out_ref):
    x = sup_ref[0]
    y = sup_ref[1]
    z = sup_ref[2]
    qx = q_ref[0:1, :]
    qy = q_ref[1:2, :]
    qz = q_ref[2:3, :]
    xc = x - qx
    yc = y - qy
    zc = z - qz

    mcx = mc_ref[0]
    mcy = mc_ref[1]
    mcz = mc_ref[2]
    inv_k = 1.0 / 16.0
    inv_p = 1.0 / mcx.shape[-1]

    rows = []
    for g in range(_G):
        px = r9_ref[g, 0] * xc + r9_ref[g, 1] * yc + r9_ref[g, 2] * zc
        py = r9_ref[g, 3] * xc + r9_ref[g, 4] * yc + r9_ref[g, 5] * zc
        pz = r9_ref[g, 6] * xc + r9_ref[g, 7] * yc + r9_ref[g, 8] * zc
        w = _eval_fam(px, py, pz, g, prm_ref)
        qg = jnp.sum(w, axis=0, keepdims=True) * inv_k
        wmc = _eval_fam(mcx[g:g + 1, :], mcy[g:g + 1, :], mcz[g:g + 1, :],
                        g, prm_ref)
        integ = jnp.sum(wmc) * inv_p
        rows.append(qg - integ)
    q_gib = jnp.concatenate(rows, axis=0)

    l = lam_ref[...]
    lmax = jnp.max(l, axis=0, keepdims=True)
    le = jnp.exp(l - lmax)
    lam = le / jnp.sum(le, axis=0, keepdims=True)
    out_ref[...] = lax.dot_general(
        q_gib, lam, (((0,), (0,)), ((), ())),
        preferred_element_type=jnp.float32)


def kernel(points, q_coords, support_idxs, mc_points, angles, lambdas,
           cy_radius, cone_radius, disk_radius, disk_width, ellip_radii):
    M, K = support_idxs.shape
    N = points.shape[0]
    O = lambdas.shape[1]
    num_workers = 32

    Mp = ((M + _BM - 1) // _BM) * _BM
    total = Mp * K
    assert total % (num_workers * _CHUNK) == 0

    idx = support_idxs.astype(jnp.int32)
    idx = jnp.pad(idx, ((0, Mp - M), (0, 0)))
    idx_flat = idx.T.reshape(total)

    table = points.T.reshape(3 * N)

    gathered = _make_sc_gather(N, total, num_workers)(idx_flat, table)

    supT = gathered.reshape(3, K, Mp)
    qT = jnp.pad(q_coords, ((0, Mp - M), (0, 0))).T
    mcT = jnp.transpose(mc_points, (2, 0, 1))

    a = jnp.fmod(angles, 2.0)
    a = 2.0 - jax.nn.relu(-a)
    r9 = _rotmats_host(a * jnp.pi).reshape(_G, 9)

    prm = jnp.stack([
        jnp.pad(cy_radius, (0, 12)),
        jnp.pad(cone_radius, (0, 12)),
        jnp.pad(disk_radius, (0, 12)),
        jnp.pad(disk_width, (0, 12)),
        jnp.pad(ellip_radii[:, 0], (0, 12)),
        jnp.pad(ellip_radii[:, 1], (0, 12)),
        jnp.pad(ellip_radii[:, 2], (0, 12)),
        jnp.zeros((16,), jnp.float32),
    ])

    nb = Mp // _BM
    P = mc_points.shape[1]
    out = pl.pallas_call(
        _tc_body,
        grid=(nb,),
        in_specs=[
            pl.BlockSpec((3, K, _BM), lambda i: (0, 0, i)),
            pl.BlockSpec((3, _BM), lambda i: (0, i)),
            pl.BlockSpec((3, _G, P), lambda i: (0, 0, 0)),
            pl.BlockSpec((_G, 9), lambda i: (0, 0)),
            pl.BlockSpec((8, 16), lambda i: (0, 0)),
            pl.BlockSpec((_G, O), lambda i: (0, 0)),
        ],
        out_specs=pl.BlockSpec((_BM, O), lambda i: (i, 0)),
        out_shape=jax.ShapeDtypeStruct((Mp, O), jnp.float32),
    )(supT, qT, mcT, r9, prm, lambdas.astype(jnp.float32))

    return out[:M]

# --- scband reference (transcript-rebuilt; emitter-appended) ---
"""Pipeline reference for scband-gib-layer-coll-15504831939263 (READ-ONLY COPY).

The authoritative reference and input builder live on the scoring server;
editing this copy changes nothing except your own understanding.
"""

import jax, jax.numpy as jnp
import numpy as np

REACH = 2.0
EPS = 1e-6
G_TOTAL = 16


def _rotmats(theta):
    cx, sx = jnp.cos(theta[:, 0]), jnp.sin(theta[:, 0])
    cy, sy = jnp.cos(theta[:, 1]), jnp.sin(theta[:, 1])
    cz, sz = jnp.cos(theta[:, 2]), jnp.sin(theta[:, 2])
    one = jnp.ones_like(cx)
    zero = jnp.zeros_like(cx)
    Rx = jnp.stack([jnp.stack([one, zero, zero], -1), jnp.stack([zero, cx, -sx], -1), jnp.stack([zero, sx, cx], -1)], -2)
    Ry = jnp.stack([jnp.stack([cy, zero, sy], -1), jnp.stack([zero, one, zero], -1), jnp.stack([-sy, zero, cy], -1)], -2)
    Rz = jnp.stack([jnp.stack([cz, -sz, zero], -1), jnp.stack([sz, cz, zero], -1), jnp.stack([zero, zero, one], -1)], -2)
    return jnp.einsum('gij,gjk,gkl->gil', Rz, Ry, Rx)


def _eval_gibs(pts, cy_r, cone_r, disk_r, disk_w, ellip_r):
    # pts: (..., 16, P, 3) with the GIB axis at position -3.
    cy_p = pts[..., 0:4, :, :]
    cone_p = pts[..., 4:8, :, :]
    disk_p = pts[..., 8:12, :, :]
    ell_p = pts[..., 12:16, :, :]

    def rad2(p):
        return p[..., 0] ** 2 + p[..., 1] ** 2

    w_cy = jnp.exp(-rad2(cy_p) / (2.0 * cy_r[:, None] ** 2 + EPS))
    z = cone_p[..., 2]
    rz = jnp.abs(cone_r[:, None]) * jnp.clip((z + REACH) / (2.0 * REACH), 0.05, 1.0)
    w_cone = jnp.exp(-rad2(cone_p) / (2.0 * rz ** 2 + EPS))
    w_disk = jnp.exp(-rad2(disk_p) / (2.0 * disk_r[:, None] ** 2 + EPS)) * jnp.exp(-disk_p[..., 2] ** 2 / (2.0 * disk_w[:, None] ** 2 + EPS))
    w_ell = jnp.exp(-0.5 * jnp.sum(ell_p ** 2 / (ellip_r[:, None, :] ** 2 + EPS), axis=-1))
    return jnp.concatenate([w_cy, w_cone, w_disk, w_ell], axis=-2)


def _forward(points, q_coords, support_idxs, mc_points, angles, lambdas,
             cy_radius, cone_radius, disk_radius, disk_width, ellip_radii):
    # gather support points for each query (memory-bound gather)
    supports = points[support_idxs]                      # (M, K, 3)
    valid = (support_idxs >= 0)                          # (M, K)
    vmask = valid.astype(points.dtype)
    s_centered = (supports - q_coords[:, None, :]) * vmask[..., None]

    # angle preprocessing as in the torch `rotate` helper
    a = jnp.fmod(angles, 2.0)
    a = 2.0 - jax.nn.relu(-a)
    R = _rotmats(a * jnp.pi)                             # (G, 3, 3)

    # per-GIB rotated support points: (M, G, K, 3)
    s_rot = jnp.einsum('mkc,gdc->mgkd', s_centered, R)

    w = _eval_gibs(s_rot, cy_radius, cone_radius, disk_radius, disk_width, ellip_radii)  # (M, G, K)
    cnt = jnp.maximum(valid.sum(-1), 1).astype(points.dtype)                              # (M,)
    q_gib = (w * vmask[:, None, :]).sum(-1) / cnt[:, None]                                # (M, G)

    # Monte-Carlo integral normalization per GIB
    integral = _eval_gibs(mc_points, cy_radius, cone_radius, disk_radius, disk_width, ellip_radii).mean(-1)  # (G,)
    q_gib = q_gib - integral[None, :]

    # convex observer combination
    lam = jax.nn.softmax(lambdas, axis=0)                # (G, O)
    return q_gib @ lam                                   # (M, O)


def setup_inputs(seed: int = 0) -> dict:
    key = jax.random.key(seed)
    ks = [jax.random.fold_in(key, i) for i in range(12)]
    N, M, K = 50000, 50000, 16
    points = jax.random.normal(ks[0], (N, 3), dtype=jnp.float32)
    q_coords = jax.random.normal(ks[1], (M, 3), dtype=jnp.float32)
    support_idxs = jax.random.randint(ks[2], (M, K), 0, N, dtype=jnp.int64)
    mc_points = (jax.random.uniform(ks[3], (G_TOTAL, 512, 3), dtype=jnp.float32) * 2.0 - 1.0) * REACH
    angles = jax.random.normal(ks[4], (G_TOTAL, 3), dtype=jnp.float32) * 0.01
    lambdas = jax.random.normal(ks[5], (G_TOTAL, 16), dtype=jnp.float32)
    cy_radius = jax.random.uniform(ks[6], (4,), dtype=jnp.float32, minval=0.2, maxval=REACH)
    cone_radius = jax.random.uniform(ks[7], (4,), dtype=jnp.float32, minval=0.2, maxval=REACH)
    disk_radius = jax.random.uniform(ks[8], (4,), dtype=jnp.float32, minval=0.2, maxval=REACH)
    disk_width = jax.random.uniform(ks[9], (4,), dtype=jnp.float32, minval=0.05, maxval=0.5)
    ellip_radii = jax.random.uniform(ks[10], (4, 3), dtype=jnp.float32, minval=0.2, maxval=REACH)
    return {
        'points': points, 'q_coords': q_coords, 'support_idxs': support_idxs,
        'mc_points': mc_points, 'angles': angles, 'lambdas': lambdas,
        'cy_radius': cy_radius, 'cone_radius': cone_radius,
        'disk_radius': disk_radius, 'disk_width': disk_width, 'ellip_radii': ellip_radii,
    }


def reference(points, q_coords, support_idxs, mc_points, angles, lambdas,
              cy_radius, cone_radius, disk_radius, disk_width, ellip_radii):
    return _forward(points, q_coords, support_idxs, mc_points, angles, lambdas,
                    cy_radius, cone_radius, disk_radius, disk_width, ellip_radii)

if __name__ == "__main__":
    import jax
    _d = setup_inputs()
    print(jax.jit(kernel)(*tuple(_d.values())))

</pallas_src>

<mosaic_0001>
#map = affine_map<(d0, d1) -> (0)>
module attributes {stable_mosaic.version = 14 : i64} {
  func.func @sc_gather(%arg0: i32, %arg1: i32, %arg2: memref<802816xi32, #tpu.memory_space<hbm>>, %arg3: memref<150000xf32, #tpu.memory_space<hbm>>, %arg4: memref<2408448xf32, #tpu.memory_space<hbm>>, %arg5: memref<25088xi32, #tpu.memory_space<vmem>>, %arg6: memref<50000xf32, #tpu.memory_space<vmem>>, %arg7: memref<25088xf32, #tpu.memory_space<vmem>>) attributes {dimension_semantics = [#tpu.dimension_semantics<core_parallel>, #tpu.dimension_semantics<subcore_parallel>], iteration_bounds = array<i64: 2, 16>, scalar_prefetch = 0 : i64, scratch_operands = 3 : i64, tpu.core_type = #tpu.core_type<sc_vector_subcore>, window_params = [{transform_indices = #map}, {transform_indices = #map}, {transform_indices = #map}]} {
    %mul3A = arith.constant 2 : i32
    %mul3A_0 = arith.muli %arg1, %mul3A : i32
    %add3A = arith.addi %mul3A_0, %arg0 : i32
    %mul3A_1 = arith.constant 25088 : i32
    %mul3A_2 = arith.muli %add3A, %mul3A_1 : i32
    "tpu.region"() ({
      %run_scoped3A = tpu.sem_alloc : memref<!tpu.dma_semaphore, #tpu.memory_space<semaphore_mem>>
      %dma_start3A = tpu.memref_slice %arg2[%mul3A_2] : memref<802816xi32, #tpu.memory_space<hbm>> -> memref<25088xi32, #tpu.memory_space<hbm>>
      %dma_start3A_26 = tpu.memref_slice %arg2[%mul3A_2] : memref<802816xi32, #tpu.memory_space<hbm>> -> memref<25088xi32, #tpu.memory_space<hbm>>
      tpu.enqueue_dma source(%dma_start3A_26 : memref<25088xi32, #tpu.memory_space<hbm>>) target(%arg5 : memref<25088xi32, #tpu.memory_space<vmem>>) target_semaphore(%run_scoped3A : memref<!tpu.dma_semaphore, #tpu.memory_space<semaphore_mem>>)
      %dma_wait3A = tpu.memref_slice %arg2[%mul3A_2] : memref<802816xi32, #tpu.memory_space<hbm>> -> memref<25088xi32, #tpu.memory_space<hbm>>
      %dma_wait3A_27 = tpu.memref_slice %arg2[%mul3A_2] : memref<802816xi32, #tpu.memory_space<hbm>> -> memref<25088xi32, #tpu.memory_space<hbm>>
      tpu.wait_dma2 semaphore(%run_scoped3A : memref<!tpu.dma_semaphore, #tpu.memory_space<semaphore_mem>>) src(%dma_wait3A_27 : memref<25088xi32, #tpu.memory_space<hbm>>) dst(%arg5 : memref<25088xi32, #tpu.memory_space<vmem>>)
      tpu.yield
    }) : () -> ()
    "tpu.region"() ({
      %run_scoped3A = tpu.sem_alloc : memref<!tpu.dma_semaphore, #tpu.memory_space<semaphore_mem>>
      %dma_start3A = arith.constant 0 : i32
      %dma_start3A_26 = tpu.memref_slice %arg3[%dma_start3A] : memref<150000xf32, #tpu.memory_space<hbm>> -> memref<50000xf32, #tpu.memory_space<hbm>>
      %dma_start3A_27 = arith.constant 0 : i32
      %dma_start3A_28 = tpu.memref_slice %arg3[%dma_start3A_27] : memref<150000xf32, #tpu.memory_space<hbm>> -> memref<50000xf32, #tpu.memory_space<hbm>>
      tpu.enqueue_dma source(%dma_start3A_28 : memref<50000xf32, #tpu.memory_space<hbm>>) target(%arg6 : memref<50000xf32, #tpu.memory_space<vmem>>) target_semaphore(%run_scoped3A : memref<!tpu.dma_semaphore, #tpu.memory_space<semaphore_mem>>)
      %dma_wait3A = arith.constant 0 : i32
      %dma_wait3A_29 = tpu.memref_slice %arg3[%dma_wait3A] : memref<150000xf32, #tpu.memory_space<hbm>> -> memref<50000xf32, #tpu.memory_space<hbm>>
      %dma_wait3A_30 = arith.constant 0 : i32
      %dma_wait3A_31 = tpu.memref_slice %arg3[%dma_wait3A_30] : memref<150000xf32, #tpu.memory_space<hbm>> -> memref<50000xf32, #tpu.memory_space<hbm>>
      tpu.wait_dma2 semaphore(%run_scoped3A : memref<!tpu.dma_semaphore, #tpu.memory_space<semaphore_mem>>) src(%dma_wait3A_31 : memref<50000xf32, #tpu.memory_space<hbm>>) dst(%arg6 : memref<50000xf32, #tpu.memory_space<vmem>>)
      tpu.yield
    }) : () -> ()
    %scan3A = arith.constant 0 : i32
    %scan3A_3 = arith.constant 0 : i32
    %scan3A_4 = arith.constant 1568 : i32
    %scan3A_5 = arith.addi %scan3A_3, %scan3A_4 : i32
    %scan3A_6 = arith.constant 1 : i32
    scf.for %scan3A_26 = %scan3A_3 to %scan3A_5 step %scan3A_6  : i32 {
      %mul3A_27 = arith.constant 16 : i32
      %mul3A_28 = arith.muli %scan3A_26, %mul3A_27 : i32
      %get3A = arith.index_cast %mul3A_28 : i32 to index
      %get3A_29 = tpu.vector_load %arg5[%get3A] {strides = array<i32>} : memref<25088xi32, #tpu.memory_space<vmem>>, vector<16xi32>,
      %gather3A = tpu.vector_load_idx %arg6[%get3A_29] : memref<50000xf32, #tpu.memory_space<vmem>>[vector<16xi32>], vector<16xf32>,
      %mul3A_30 = arith.constant 16 : i32
      %mul3A_31 = arith.muli %scan3A_26, %mul3A_30 : i32
      %swap3A = arith.index_cast %mul3A_31 : i32 to index
      %swap3A_32 = tpu.vector_load %arg7[%swap3A] {strides = array<i32>} : memref<25088xf32, #tpu.memory_space<vmem>>, vector<16xf32>,
      tpu.vector_store %arg7[%swap3A], %gather3A {strides = array<i32>} : memref<25088xf32, #tpu.memory_space<vmem>>, vector<16xf32>,
    }
    %scan3A_7 = arith.constant 1568 : i32
    %add3A_8 = arith.constant 0 : i32
    %add3A_9 = arith.addi %add3A_8, %mul3A_2 : i32
    "tpu.region"() ({
      %run_scoped3A = tpu.sem_alloc : memref<!tpu.dma_semaphore, #tpu.memory_space<semaphore_mem>>
      %dma_start3A = tpu.memref_slice %arg4[%add3A_9] : memref<2408448xf32, #tpu.memory_space<hbm>> -> memref<25088xf32, #tpu.memory_space<hbm>>
      %dma_start3A_26 = tpu.memref_slice %arg4[%add3A_9] : memref<2408448xf32, #tpu.memory_space<hbm>> -> memref<25088xf32, #tpu.memory_space<hbm>>
      tpu.enqueue_dma source(%arg7 : memref<25088xf32, #tpu.memory_space<vmem>>) target(%dma_start3A_26 : memref<25088xf32, #tpu.memory_space<hbm>>) target_semaphore(%run_scoped3A : memref<!tpu.dma_semaphore, #tpu.memory_space<semaphore_mem>>)
      %dma_wait3A = tpu.memref_slice %arg4[%add3A_9] : memref<2408448xf32, #tpu.memory_space<hbm>> -> memref<25088xf32, #tpu.memory_space<hbm>>
      %dma_wait3A_27 = tpu.memref_slice %arg4[%add3A_9] : memref<2408448xf32, #tpu.memory_space<hbm>> -> memref<25088xf32, #tpu.memory_space<hbm>>
      tpu.wait_dma2 semaphore(%run_scoped3A : memref<!tpu.dma_semaphore, #tpu.memory_space<semaphore_mem>>) src(%arg7 : memref<25088xf32, #tpu.memory_space<vmem>>) dst(%dma_wait3A_27 : memref<25088xf32, #tpu.memory_space<hbm>>)
      tpu.yield
    }) : () -> ()
    "tpu.region"() ({
      %run_scoped3A = tpu.sem_alloc : memref<!tpu.dma_semaphore, #tpu.memory_space<semaphore_mem>>
      %dma_start3A = arith.constant 50000 : i32
      %dma_start3A_26 = tpu.memref_slice %arg3[%dma_start3A] : memref<150000xf32, #tpu.memory_space<hbm>> -> memref<50000xf32, #tpu.memory_space<hbm>>
      %dma_start3A_27 = arith.constant 50000 : i32
      %dma_start3A_28 = tpu.memref_slice %arg3[%dma_start3A_27] : memref<150000xf32, #tpu.memory_space<hbm>> -> memref<50000xf32, #tpu.memory_space<hbm>>
      tpu.enqueue_dma source(%dma_start3A_28 : memref<50000xf32, #tpu.memory_space<hbm>>) target(%arg6 : memref<50000xf32, #tpu.memory_space<vmem>>) target_semaphore(%run_scoped3A : memref<!tpu.dma_semaphore, #tpu.memory_space<semaphore_mem>>)
      %dma_wait3A = arith.constant 50000 : i32
      %dma_wait3A_29 = tpu.memref_slice %arg3[%dma_wait3A] : memref<150000xf32, #tpu.memory_space<hbm>> -> memref<50000xf32, #tpu.memory_space<hbm>>
      %dma_wait3A_30 = arith.constant 50000 : i32
      %dma_wait3A_31 = tpu.memref_slice %arg3[%dma_wait3A_30] : memref<150000xf32, #tpu.memory_space<hbm>> -> memref<50000xf32, #tpu.memory_space<hbm>>
      tpu.wait_dma2 semaphore(%run_scoped3A : memref<!tpu.dma_semaphore, #tpu.memory_space<semaphore_mem>>) src(%dma_wait3A_31 : memref<50000xf32, #tpu.memory_space<hbm>>) dst(%arg6 : memref<50000xf32, #tpu.memory_space<vmem>>)
      tpu.yield
    }) : () -> ()
    %scan3A_10 = arith.constant 0 : i32
    %scan3A_11 = arith.constant 0 : i32
    %scan3A_12 = arith.constant 1568 : i32
    %scan3A_13 = arith.addi %scan3A_11, %scan3A_12 : i32
    %scan3A_14 = arith.constant 1 : i32
    scf.for %scan3A_26 = %scan3A_11 to %scan3A_13 step %scan3A_14  : i32 {
      %mul3A_27 = arith.constant 16 : i32
      %mul3A_28 = arith.muli %scan3A_26, %mul3A_27 : i32
      %get3A = arith.index_cast %mul3A_28 : i32 to index
      %get3A_29 = tpu.vector_load %arg5[%get3A] {strides = array<i32>} : memref<25088xi32, #tpu.memory_space<vmem>>, vector<16xi32>,
      %gather3A = tpu.vector_load_idx %arg6[%get3A_29] : memref<50000xf32, #tpu.memory_space<vmem>>[vector<16xi32>], vector<16xf32>,
      %mul3A_30 = arith.constant 16 : i32
      %mul3A_31 = arith.muli %scan3A_26, %mul3A_30 : i32
      %swap3A = arith.index_cast %mul3A_31 : i32 to index
      %swap3A_32 = tpu.vector_load %arg7[%swap3A] {strides = array<i32>} : memref<25088xf32, #tpu.memory_space<vmem>>, vector<16xf32>,
      tpu.vector_store %arg7[%swap3A], %gather3A {strides = array<i32>} : memref<25088xf32, #tpu.memory_space<vmem>>, vector<16xf32>,
    }
    %scan3A_15 = arith.constant 1568 : i32
    %add3A_16 = arith.constant 802816 : i32
    %add3A_17 = arith.addi %add3A_16, %mul3A_2 : i32
    "tpu.region"() ({
      %run_scoped3A = tpu.sem_alloc : memref<!tpu.dma_semaphore, #tpu.memory_space<semaphore_mem>>
      %dma_start3A = tpu.memref_slice %arg4[%add3A_17] : memref<2408448xf32, #tpu.memory_space<hbm>> -> memref<25088xf32, #tpu.memory_space<hbm>>
      %dma_start3A_26 = tpu.memref_slice %arg4[%add3A_17] : memref<2408448xf32, #tpu.memory_space<hbm>> -> memref<25088xf32, #tpu.memory_space<hbm>>
      tpu.enqueue_dma source(%arg7 : memref<25088xf32, #tpu.memory_space<vmem>>) target(%dma_start3A_26 : memref<25088xf32, #tpu.memory_space<hbm>>) target_semaphore(%run_scoped3A : memref<!tpu.dma_semaphore, #tpu.memory_space<semaphore_mem>>)
      %dma_wait3A = tpu.memref_slice %arg4[%add3A_17] : memref<2408448xf32, #tpu.memory_space<hbm>> -> memref<25088xf32, #tpu.memory_space<hbm>>
      %dma_wait3A_27 = tpu.memref_slice %arg4[%add3A_17] : memref<2408448xf32, #tpu.memory_space<hbm>> -> memref<25088xf32, #tpu.memory_space<hbm>>
      tpu.wait_dma2 semaphore(%run_scoped3A : memref<!tpu.dma_semaphore, #tpu.memory_space<semaphore_mem>>) src(%arg7 : memref<25088xf32, #tpu.memory_space<vmem>>) dst(%dma_wait3A_27 : memref<25088xf32, #tpu.memory_space<hbm>>)
      tpu.yield
    }) : () -> ()
    "tpu.region"() ({
      %run_scoped3A = tpu.sem_alloc : memref<!tpu.dma_semaphore, #tpu.memory_space<semaphore_mem>>
      %dma_start3A = arith.constant 100000 : i32
      %dma_start3A_26 = tpu.memref_slice %arg3[%dma_start3A] : memref<150000xf32, #tpu.memory_space<hbm>> -> memref<50000xf32, #tpu.memory_space<hbm>>
      %dma_start3A_27 = arith.constant 100000 : i32
      %dma_start3A_28 = tpu.memref_slice %arg3[%dma_start3A_27] : memref<150000xf32, #tpu.memory_space<hbm>> -> memref<50000xf32, #tpu.memory_space<hbm>>
      tpu.enqueue_dma source(%dma_start3A_28 : memref<50000xf32, #tpu.memory_space<hbm>>) target(%arg6 : memref<50000xf32, #tpu.memory_space<vmem>>) target_semaphore(%run_scoped3A : memref<!tpu.dma_semaphore, #tpu.memory_space<semaphore_mem>>)
      %dma_wait3A = arith.constant 100000 : i32
      %dma_wait3A_29 = tpu.memref_slice %arg3[%dma_wait3A] : memref<150000xf32, #tpu.memory_space<hbm>> -> memref<50000xf32, #tpu.memory_space<hbm>>
      %dma_wait3A_30 = arith.constant 100000 : i32
      %dma_wait3A_31 = tpu.memref_slice %arg3[%dma_wait3A_30] : memref<150000xf32, #tpu.memory_space<hbm>> -> memref<50000xf32, #tpu.memory_space<hbm>>
      tpu.wait_dma2 semaphore(%run_scoped3A : memref<!tpu.dma_semaphore, #tpu.memory_space<semaphore_mem>>) src(%dma_wait3A_31 : memref<50000xf32, #tpu.memory_space<hbm>>) dst(%arg6 : memref<50000xf32, #tpu.memory_space<vmem>>)
      tpu.yield
    }) : () -> ()
    %scan3A_18 = arith.constant 0 : i32
    %scan3A_19 = arith.constant 0 : i32
    %scan3A_20 = arith.constant 1568 : i32
    %scan3A_21 = arith.addi %scan3A_19, %scan3A_20 : i32
    %scan3A_22 = arith.constant 1 : i32
    scf.for %scan3A_26 = %scan3A_19 to %scan3A_21 step %scan3A_22  : i32 {
      %mul3A_27 = arith.constant 16 : i32
      %mul3A_28 = arith.muli %scan3A_26, %mul3A_27 : i32
      %get3A = arith.index_cast %mul3A_28 : i32 to index
      %get3A_29 = tpu.vector_load %arg5[%get3A] {strides = array<i32>} : memref<25088xi32, #tpu.memory_space<vmem>>, vector<16xi32>,
      %gather3A = tpu.vector_load_idx %arg6[%get3A_29] : memref<50000xf32, #tpu.memory_space<vmem>>[vector<16xi32>], vector<16xf32>,
      %mul3A_30 = arith.constant 16 : i32
      %mul3A_31 = arith.muli %scan3A_26, %mul3A_30 : i32
      %swap3A = arith.index_cast %mul3A_31 : i32 to index
      %swap3A_32 = tpu.vector_load %arg7[%swap3A] {strides = array<i32>} : memref<25088xf32, #tpu.memory_space<vmem>>, vector<16xf32>,
      tpu.vector_store %arg7[%swap3A], %gather3A {strides = array<i32>} : memref<25088xf32, #tpu.memory_space<vmem>>, vector<16xf32>,
    }
    %scan3A_23 = arith.constant 1568 : i32
    %add3A_24 = arith.constant 1605632 : i32
    %add3A_25 = arith.addi %add3A_24, %mul3A_2 : i32
    "tpu.region"() ({
      %run_scoped3A = tpu.sem_alloc : memref<!tpu.dma_semaphore, #tpu.memory_space<semaphore_mem>>
      %dma_start3A = tpu.memref_slice %arg4[%add3A_25] : memref<2408448xf32, #tpu.memory_space<hbm>> -> memref<25088xf32, #tpu.memory_space<hbm>>
      %dma_start3A_26 = tpu.memref_slice %arg4[%add3A_25] : memref<2408448xf32, #tpu.memory_space<hbm>> -> memref<25088xf32, #tpu.memory_space<hbm>>
      tpu.enqueue_dma source(%arg7 : memref<25088xf32, #tpu.memory_space<vmem>>) target(%dma_start3A_26 : memref<25088xf32, #tpu.memory_space<hbm>>) target_semaphore(%run_scoped3A : memref<!tpu.dma_semaphore, #tpu.memory_space<semaphore_mem>>)
      %dma_wait3A = tpu.memref_slice %arg4[%add3A_25] : memref<2408448xf32, #tpu.memory_space<hbm>> -> memref<25088xf32, #tpu.memory_space<hbm>>
      %dma_wait3A_27 = tpu.memref_slice %arg4[%add3A_25] : memref<2408448xf32, #tpu.memory_space<hbm>> -> memref<25088xf32, #tpu.memory_space<hbm>>
      tpu.wait_dma2 semaphore(%run_scoped3A : memref<!tpu.dma_semaphore, #tpu.memory_space<semaphore_mem>>) src(%arg7 : memref<25088xf32, #tpu.memory_space<vmem>>) dst(%dma_wait3A_27 : memref<25088xf32, #tpu.memory_space<hbm>>)
      tpu.yield
    }) : () -> ()
    return
  }
}

module attributes {stable_mosaic.version = 14 : i64} {
  func.func @_tc_body(%arg0: i32, %arg1: memref<3x16x256xf32, #tpu.memory_space<vmem>>, %arg2: memref<3x256xf32, #tpu.memory_space<vmem>>, %arg3: memref<3x16x512xf32, #tpu.memory_space<vmem>>, %arg4: memref<16x9xf32, #tpu.memory_space<vmem>>, %arg5: memref<8x16xf32, #tpu.memory_space<vmem>>, %arg6: memref<16x16xf32, #tpu.memory_space<vmem>>, %arg7: memref<256x16xf32, #tpu.memory_space<vmem>>) attributes {dimension_semantics = [#tpu.dimension_semantics<arbitrary>], iteration_bounds = array<i64: 196>, scalar_prefetch = 0 : i64, scratch_operands = 0 : i64, tpu.core_type = #tpu.core_type<tc>, window_params = [{transform_indices = @transform_0, window_bounds = array<i64: 3, 16, 256>}, {transform_indices = @transform_1, window_bounds = array<i64: 3, 256>}, {pipeline_mode = #tpu.pipeline_mode<synchronous>, transform_indices = @transform_2, window_bounds = array<i64: 3, 16, 512>}, {pipeline_mode = #tpu.pipeline_mode<synchronous>, transform_indices = @transform_3, window_bounds = array<i64: 16, 9>}, {pipeline_mode = #tpu.pipeline_mode<synchronous>, transform_indices = @transform_4, window_bounds = array<i64: 8, 16>}, {pipeline_mode = #tpu.pipeline_mode<synchronous>, transform_indices = @transform_5, window_bounds = array<i64: 16, 16>}, {transform_indices = @transform_6, window_bounds = array<i64: 256, 16>}]} {
    %get3A = arith.constant 0 : index
    %get3A_0 = arith.constant 0 : index
    %get3A_1 = arith.constant 0 : index
    %get3A_2 = vector.load %arg1[%get3A, %get3A_0, %get3A_1] : memref<3x16x256xf32, #tpu.memory_space<vmem>>, vector<1x16x256xf32>
    %get3A_3 = vector.shape_cast %get3A_2 : vector<1x16x256xf32> to vector<16x256xf32>
    %get3A_4 = arith.constant 1 : index
    %get3A_5 = arith.constant 0 : index
    %get3A_6 = arith.constant 0 : index
    %get3A_7 = vector.load %arg1[%get3A_4, %get3A_5, %get3A_6] : memref<3x16x256xf32, #tpu.memory_space<vmem>>, vector<1x16x256xf32>
    %get3A_8 = vector.shape_cast %get3A_7 : vector<1x16x256xf32> to vector<16x256xf32>
    %get3A_9 = arith.constant 2 : index
    %get3A_10 = arith.constant 0 : index
    %get3A_11 = arith.constant 0 : index
    %get3A_12 = vector.load %arg1[%get3A_9, %get3A_10, %get3A_11] : memref<3x16x256xf32, #tpu.memory_space<vmem>>, vector<1x16x256xf32>
    %get3A_13 = vector.shape_cast %get3A_12 : vector<1x16x256xf32> to vector<16x256xf32>
    %get3A_14 = arith.constant 0 : index
    %get3A_15 = arith.constant 0 : index
    %get3A_16 = vector.load %arg2[%get3A_14, %get3A_15] : memref<3x256xf32, #tpu.memory_space<vmem>>, vector<1x256xf32>
    %get3A_17 = arith.constant 1 : index
    %get3A_18 = arith.constant 0 : index
    %get3A_19 = vector.load %arg2[%get3A_17, %get3A_18] : memref<3x256xf32, #tpu.memory_space<vmem>>, vector<1x256xf32>
    %get3A_20 = arith.constant 2 : index
    %get3A_21 = arith.constant 0 : index
    %get3A_22 = vector.load %arg2[%get3A_20, %get3A_21] : memref<3x256xf32, #tpu.memory_space<vmem>>, vector<1x256xf32>
    %sub3A = vector.broadcast %get3A_16 : vector<1x256xf32> to vector<16x256xf32>
    %sub3A_23 = arith.subf %get3A_3, %sub3A : vector<16x256xf32>
    %sub3A_24 = vector.broadcast %get3A_19 : vector<1x256xf32> to vector<16x256xf32>
    %sub3A_25 = arith.subf %get3A_8, %sub3A_24 : vector<16x256xf32>
    %sub3A_26 = vector.broadcast %get3A_22 : vector<1x256xf32> to vector<16x256xf32>
    %sub3A_27 = arith.subf %get3A_13, %sub3A_26 : vector<16x256xf32>
    %get3A_28 = arith.constant 0 : index
    %get3A_29 = arith.constant 0 : index
    %get3A_30 = arith.constant 0 : index
    %get3A_31 = vector.load %arg3[%get3A_28, %get3A_29, %get3A_30] : memref<3x16x512xf32, #tpu.memory_space<vmem>>, vector<1x16x512xf32>
    %get3A_32 = vector.shape_cast %get3A_31 : vector<1x16x512xf32> to vector<16x512xf32>
    %get3A_33 = arith.constant 1 : index
    %get3A_34 = arith.constant 0 : index
    %get3A_35 = arith.constant 0 : index
    %get3A_36 = vector.load %arg3[%get3A_33, %get3A_34, %get3A_35] : memref<3x16x512xf32, #tpu.memory_space<vmem>>, vector<1x16x512xf32>
    %get3A_37 = vector.shape_cast %get3A_36 : vector<1x16x512xf32> to vector<16x512xf32>
    %get3A_38 = arith.constant 2 : index
    %get3A_39 = arith.constant 0 : index
    %get3A_40 = arith.constant 0 : index
    %get3A_41 = vector.load %arg3[%get3A_38, %get3A_39, %get3A_40] : memref<3x16x512xf32, #tpu.memory_space<vmem>>, vector<1x16x512xf32>
    %get3A_42 = vector.shape_cast %get3A_41 : vector<1x16x512xf32> to vector<16x512xf32>
    %get3A_43 = arith.constant 0 : index
    %get3A_44 = arith.constant 0 : index
    %get3A_45 = vector.load %arg4[%get3A_43, %get3A_44] : memref<16x9xf32, #tpu.memory_space<vmem>>, vector<1x1xf32>
    %get3A_46 = vector.extract %get3A_45[0, 0] : f32 from vector<1x1xf32>
    %mul3A = vector.broadcast %get3A_46 : f32 to vector<16x256xf32>
    %mul3A_47 = arith.mulf %mul3A, %sub3A_23 : vector<16x256xf32>
    %get3A_48 = arith.constant 0 : index
    %get3A_49 = arith.constant 1 : index
    %get3A_50 = vector.load %arg4[%get3A_48, %get3A_49] : memref<16x9xf32, #tpu.memory_space<vmem>>, vector<1x1xf32>
    %get3A_51 = vector.extract %get3A_50[0, 0] : f32 from vector<1x1xf32>
    %mul3A_52 = vector.broadcast %get3A_51 : f32 to vector<16x256xf32>
    %mul3A_53 = arith.mulf %mul3A_52, %sub3A_25 : vector<16x256xf32>
    %add3A = arith.addf %mul3A_47, %mul3A_53 : vector<16x256xf32>
    %get3A_54 = arith.constant 0 : index
    %get3A_55 = arith.constant 2 : index
    %get3A_56 = vector.load %arg4[%get3A_54, %get3A_55] : memref<16x9xf32, #tpu.memory_space<vmem>>, vector<1x1xf32>
    %get3A_57 = vector.extract %get3A_56[0, 0] : f32 from vector<1x1xf32>
    %mul3A_58 = vector.broadcast %get3A_57 : f32 to vector<16x256xf32>
    %mul3A_59 = arith.mulf %mul3A_58, %sub3A_27 : vector<16x256xf32>
    %add3A_60 = arith.addf %add3A, %mul3A_59 : vector<16x256xf32>
    %get3A_61 = arith.constant 0 : index
    %get3A_62 = arith.constant 3 : index
    %get3A_63 = vector.load %arg4[%get3A_61, %get3A_62] : memref<16x9xf32, #tpu.memory_space<vmem>>, vector<1x1xf32>
    %get3A_64 = vector.extract %get3A_63[0, 0] : f32 from vector<1x1xf32>
    %mul3A_65 = vector.broadcast %get3A_64 : f32 to vector<16x256xf32>
    %mul3A_66 = arith.mulf %mul3A_65, %sub3A_23 : vector<16x256xf32>
    %get3A_67 = arith.constant 0 : index
    %get3A_68 = arith.constant 4 : index
    %get3A_69 = vector.load %arg4[%get3A_67, %get3A_68] : memref<16x9xf32, #tpu.memory_space<vmem>>, vector<1x1xf32>
    %get3A_70 = vector.extract %get3A_69[0, 0] : f32 from vector<1x1xf32>
    %mul3A_71 = vector.broadcast %get3A_70 : f32 to vector<16x256xf32>
    %mul3A_72 = arith.mulf %mul3A_71, %sub3A_25 : vector<16x256xf32>
    %add3A_73 = arith.addf %mul3A_66, %mul3A_72 : vector<16x256xf32>
    %get3A_74 = arith.constant 0 : index
    %get3A_75 = arith.constant 5 : index
    %get3A_76 = vector.load %arg4[%get3A_74, %get3A_75] : memref<16x9xf32, #tpu.memory_space<vmem>>, vector<1x1xf32>
    %get3A_77 = vector.extract %get3A_76[0, 0] : f32 from vector<1x1xf32>
    %mul3A_78 = vector.broadcast %get3A_77 : f32 to vector<16x256xf32>
    %mul3A_79 = arith.mulf %mul3A_78, %sub3A_27 : vector<16x256xf32>
    %add3A_80 = arith.addf %add3A_73, %mul3A_79 : vector<16x256xf32>
    %mul3A_81 = arith.mulf %add3A_60, %add3A_60 : vector<16x256xf32>
    %mul3A_82 = arith.mulf %add3A_80, %add3A_80 : vector<16x256xf32>
    %add3A_83 = arith.addf %mul3A_81, %mul3A_82 : vector<16x256xf32>
    %get3A_84 = arith.constant 0 : index
    %get3A_85 = arith.constant 0 : index
    %get3A_86 = vector.load %arg5[%get3A_84, %get3A_85] : memref<8x16xf32, #tpu.memory_space<vmem>>, vector<1x1xf32>
    %get3A_87 = vector.extract %get3A_86[0, 0] : f32 from vector<1x1xf32>
    %neg3A = arith.constant 0.000000e+00 : f32
    %neg3A_88 = vector.broadcast %neg3A : f32 to vector<16x256xf32>
    %neg3A_89 = arith.subf %neg3A_88, %add3A_83 : vector<16x256xf32>
    %mul3A_90 = arith.constant 2.000000e+00 : f32
    %mul3A_91 = arith.mulf %mul3A_90, %get3A_87 : f32
    %mul3A_92 = arith.mulf %mul3A_91, %get3A_87 : f32
    %add3A_93 = arith.constant 9.99999997E-7 : f32
    %add3A_94 = arith.addf %mul3A_92, %add3A_93 : f32
    %div3A = vector.broadcast %add3A_94 : f32 to vector<16x256xf32>
    %div3A_95 = arith.divf %neg3A_89, %div3A : vector<16x256xf32>
    %exp3A = math.exp %div3A_95 : vector<16x256xf32>
    %reduce_sum3A = arith.constant dense<0.000000e+00> : vector<256xf32>
    %reduce_sum3A_96 = vector.multi_reduction <add>, %exp3A, %reduce_sum3A [0] : vector<16x256xf32> to vector<256xf32>
    %broadcast_in_dim3A = vector.shape_cast %reduce_sum3A_96 : vector<256xf32> to vector<1x256xf32>
    %mul3A_97 = arith.constant 6.250000e-02 : f32
    %mul3A_98 = vector.broadcast %mul3A_97 : f32 to vector<1x256xf32>
    %mul3A_99 = arith.mulf %broadcast_in_dim3A, %mul3A_98 : vector<1x256xf32>
    %slice3A = vector.extract_strided_slice %get3A_32 {offsets = [0, 0], sizes = [1, 512], strides = [1, 1]} : vector<16x512xf32> to vector<1x512xf32>
    %slice3A_100 = vector.extract_strided_slice %get3A_37 {offsets = [0, 0], sizes = [1, 512], strides = [1, 1]} : vector<16x512xf32> to vector<1x512xf32>
    %mul3A_101 = arith.mulf %slice3A, %slice3A : vector<1x512xf32>
    %mul3A_102 = arith.mulf %slice3A_100, %slice3A_100 : vector<1x512xf32>
    %add3A_103 = arith.addf %mul3A_101, %mul3A_102 : vector<1x512xf32>
    %get3A_104 = arith.constant 0 : index
    %get3A_105 = arith.constant 0 : index
    %get3A_106 = vector.load %arg5[%get3A_104, %get3A_105] : memref<8x16xf32, #tpu.memory_space<vmem>>, vector<1x1xf32>
    %get3A_107 = vector.extract %get3A_106[0, 0] : f32 from vector<1x1xf32>
    %neg3A_108 = arith.constant 0.000000e+00 : f32
    %neg3A_109 = vector.broadcast %neg3A_108 : f32 to vector<1x512xf32>
    %neg3A_110 = arith.subf %neg3A_109, %add3A_103 : vector<1x512xf32>
    %mul3A_111 = arith.constant 2.000000e+00 : f32
    %mul3A_112 = arith.mulf %mul3A_111, %get3A_107 : f32
    %mul3A_113 = arith.mulf %mul3A_112, %get3A_107 : f32
    %add3A_114 = arith.constant 9.99999997E-7 : f32
    %add3A_115 = arith.addf %mul3A_113, %add3A_114 : f32
    %div3A_116 = vector.broadcast %add3A_115 : f32 to vector<1x512xf32>
    %div3A_117 = arith.divf %neg3A_110, %div3A_116 : vector<1x512xf32>
    %exp3A_118 = math.exp %div3A_117 : vector<1x512xf32>
    %reduce_sum3A_119 = vector.shape_cast %exp3A_118 : vector<1x512xf32> to vector<1x1x512xf32>
    %reduce_sum3A_120 = arith.constant dense<0.000000e+00> : vector<1xf32>
    %reduce_sum3A_121 = vector.multi_reduction <add>, %reduce_sum3A_119, %reduce_sum3A_120 [1, 2] : vector<1x1x512xf32> to vector<1xf32>
    %reduce_sum3A_122 = vector.shape_cast %reduce_sum3A_121 : vector<1xf32> to vector<1x1x1xf32>
    %reduce_sum3A_123 = vector.extract %reduce_sum3A_122[0, 0, 0] : f32 from vector<1x1x1xf32>
    %mul3A_124 = arith.constant 0.001953125 : f32
    %mul3A_125 = arith.mulf %reduce_sum3A_123, %mul3A_124 : f32
    %sub3A_126 = vector.broadcast %mul3A_125 : f32 to vector<1x256xf32>
    %sub3A_127 = arith.subf %mul3A_99, %sub3A_126 : vector<1x256xf32>
    %get3A_128 = arith.constant 1 : index
    %get3A_129 = arith.constant 0 : index
    %get3A_130 = vector.load %arg4[%get3A_128, %get3A_129] : memref<16x9xf32, #tpu.memory_space<vmem>>, vector<1x1xf32>
    %get3A_131 = vector.extract %get3A_130[0, 0] : f32 from vector<1x1xf32>
    %mul3A_132 = vector.broadcast %get3A_131 : f32 to vector<16x256xf32>
    %mul3A_133 = arith.mulf %mul3A_132, %sub3A_23 : vector<16x256xf32>
    %get3A_134 = arith.constant 1 : index
    %get3A_135 = arith.constant 1 : index
    %get3A_136 = vector.load %arg4[%get3A_134, %get3A_135] : memref<16x9xf32, #tpu.memory_space<vmem>>, vector<1x1xf32>
    %get3A_137 = vector.extract %get3A_136[0, 0] : f32 from vector<1x1xf32>
    %mul3A_138 = vector.broadcast %get3A_137 : f32 to vector<16x256xf32>
    %mul3A_139 = arith.mulf %mul3A_138, %sub3A_25 : vector<16x256xf32>
    %add3A_140 = arith.addf %mul3A_133, %mul3A_139 : vector<16x256xf32>
    %get3A_141 = arith.constant 1 : index
    %get3A_142 = arith.constant 2 : index
    %get3A_143 = vector.load %arg4[%get3A_141, %get3A_142] : memref<16x9xf32, #tpu.memory_space<vmem>>, vector<1x1xf32>
    %get3A_144 = vector.extract %get3A_143[0, 0] : f32 from vector<1x1xf32>
    %mul3A_145 = vector.broadcast %get3A_144 : f32 to vector<16x256xf32>
    %mul3A_146 = arith.mulf %mul3A_145, %sub3A_27 : vector<16x256xf32>
    %add3A_147 = arith.addf %add3A_140, %mul3A_146 : vector<16x256xf32>
    %get3A_148 = arith.constant 1 : index
    %get3A_149 = arith.constant 3 : index
    %get3A_150 = vector.load %arg4[%get3A_148, %get3A_149] : memref<16x9xf32, #tpu.memory_space<vmem>>, vector<1x1xf32>
    %get3A_151 = vector.extract %get3A_150[0, 0] : f32 from vector<1x1xf32>
    %mul3A_152 = vector.broadcast %get3A_151 : f32 to vector<16x256xf32>
    %mul3A_153 = arith.mulf %mul3A_152, %sub3A_23 : vector<16x256xf32>
    %get3A_154 = arith.constant 1 : index
    %get3A_155 = arith.constant 4 : index
    %get3A_156 = vector.load %arg4[%get3A_154, %get3A_155] : memref<16x9xf32, #tpu.memory_space<vmem>>, vector<1x1xf32>
    %get3A_157 = vector.extract %get3A_156[0, 0] : f32 from vector<1x1xf32>
    %mul3A_158 = vector.broadcast %get3A_157 : f32 to vector<16x256xf32>
    %mul3A_159 = arith.mulf %mul3A_158, %sub3A_25 : vector<16x256xf32>
    %add3A_160 = arith.addf %mul3A_153, %mul3A_159 : vector<16x256xf32>
    %get3A_161 = arith.constant 1 : index
    %get3A_162 = arith.constant 5 : index
    %get3A_163 = vector.load %arg4[%get3A_161, %get3A_162] : memref<16x9xf32, #tpu.memory_space<vmem>>, vector<1x1xf32>
    %get3A_164 = vector.extract %get3A_163[0, 0] : f32 from vector<1x1xf32>
    %mul3A_165 = vector.broadcast %get3A_164 : f32 to vector<16x256xf32>
    %mul3A_166 = arith.mulf %mul3A_165, %sub3A_27 : vector<16x256xf32>
    %add3A_167 = arith.addf %add3A_160, %mul3A_166 : vector<16x256xf32>
    %mul3A_168 = arith.mulf %add3A_147, %add3A_147 : vector<16x256xf32>
    %mul3A_169 = arith.mulf %add3A_167, %add3A_167 : vector<16x256xf32>
    %add3A_170 = arith.addf %mul3A_168, %mul3A_169 : vector<16x256xf32>
    %get3A_171 = arith.constant 0 : index
    %get3A_172 = arith.constant 1 : index
    %get3A_173 = vector.load %arg5[%get3A_171, %get3A_172] : memref<8x16xf32, #tpu.memory_space<vmem>>, vector<1x1xf32>
    %get3A_174 = vector.extract %get3A_173[0, 0] : f32 from vector<1x1xf32>
    %neg3A_175 = arith.constant 0.000000e+00 : f32
    %neg3A_176 = vector.broadcast %neg3A_175 : f32 to vector<16x256xf32>
    %neg3A_177 = arith.subf %neg3A_176, %add3A_170 : vector<16x256xf32>
    %mul3A_178 = arith.constant 2.000000e+00 : f32
    %mul3A_179 = arith.mulf %mul3A_178, %get3A_174 : f32
    %mul3A_180 = arith.mulf %mul3A_179, %get3A_174 : f32
    %add3A_181 = arith.constant 9.99999997E-7 : f32
    %add3A_182 = arith.addf %mul3A_180, %add3A_181 : f32
    %div3A_183 = vector.broadcast %add3A_182 : f32 to vector<16x256xf32>
    %div3A_184 = arith.divf %neg3A_177, %div3A_183 : vector<16x256xf32>
    %exp3A_185 = math.exp %div3A_184 : vector<16x256xf32>
    %reduce_sum3A_186 = arith.constant dense<0.000000e+00> : vector<256xf32>
    %reduce_sum3A_187 = vector.multi_reduction <add>, %exp3A_185, %reduce_sum3A_186 [0] : vector<16x256xf32> to vector<256xf32>
    %broadcast_in_dim3A_188 = vector.shape_cast %reduce_sum3A_187 : vector<256xf32> to vector<1x256xf32>
    %mul3A_189 = arith.constant 6.250000e-02 : f32
    %mul3A_190 = vector.broadcast %mul3A_189 : f32 to vector<1x256xf32>
    %mul3A_191 = arith.mulf %broadcast_in_dim3A_188, %mul3A_190 : vector<1x256xf32>
    %slice3A_192 = vector.extract_strided_slice %get3A_32 {offsets = [1, 0], sizes = [1, 512], strides = [1, 1]} : vector<16x512xf32> to vector<1x512xf32>
    %slice3A_193 = vector.extract_strided_slice %get3A_37 {offsets = [1, 0], sizes = [1, 512], strides = [1, 1]} : vector<16x512xf32> to vector<1x512xf32>
    %mul3A_194 = arith.mulf %slice3A_192, %slice3A_192 : vector<1x512xf32>
    %mul3A_195 = arith.mulf %slice3A_193, %slice3A_193 : vector<1x512xf32>
    %add3A_196 = arith.addf %mul3A_194, %mul3A_195 : vector<1x512xf32>
    %get3A_197 = arith.constant 0 : index
    %get3A_198 = arith.constant 1 : index
    %get3A_199 = vector.load %arg5[%get3A_197, %get3A_198] : memref<8x16xf32, #tpu.memory_space<vmem>>, vector<1x1xf32>
    %get3A_200 = vector.extract %get3A_199[0, 0] : f32 from vector<1x1xf32>
    %neg3A_201 = arith.constant 0.000000e+00 : f32
    %neg3A_202 = vector.broadcast %neg3A_201 : f32 to vector<1x512xf32>
    %neg3A_203 = arith.subf %neg3A_202, %add3A_196 : vector<1x512xf32>
    %mul3A_204 = arith.constant 2.000000e+00 : f32
    %mul3A_205 = arith.mulf %mul3A_204, %get3A_200 : f32
    %mul3A_206 = arith.mulf %mul3A_205, %get3A_200 : f32
    %add3A_207 = arith.constant 9.99999997E-7 : f32
    %add3A_208 = arith.addf %mul3A_206, %add3A_207 : f32
    %div3A_209 = vector.broadcast %add3A_208 : f32 to vector<1x512xf32>
    %div3A_210 = arith.divf %neg3A_203, %div3A_209 : vector<1x512xf32>
    %exp3A_211 = math.exp %div3A_210 : vector<1x512xf32>
    %reduce_sum3A_212 = vector.shape_cast %exp3A_211 : vector<1x512xf32> to vector<1x1x512xf32>
    %reduce_sum3A_213 = arith.constant dense<0.000000e+00> : vector<1xf32>
    %reduce_sum3A_214 = vector.multi_reduction <add>, %reduce_sum3A_212, %reduce_sum3A_213 [1, 2] : vector<1x1x512xf32> to vector<1xf32>
    %reduce_sum3A_215 = vector.shape_cast %reduce_sum3A_214 : vector<1xf32> to vector<1x1x1xf32>
    %reduce_sum3A_216 = vector.extract %reduce_sum3A_215[0, 0, 0] : f32 from vector<1x1x1xf32>
    %mul3A_217 = arith.constant 0.001953125 : f32
    %mul3A_218 = arith.mulf %reduce_sum3A_216, %mul3A_217 : f32
    %sub3A_219 = vector.broadcast %mul3A_218 : f32 to vector<1x256xf32>
    %sub3A_220 = arith.subf %mul3A_191, %sub3A_219 : vector<1x256xf32>
    %get3A_221 = arith.constant 2 : index
    %get3A_222 = arith.constant 0 : index
    %get3A_223 = vector.load %arg4[%get3A_221, %get3A_222] : memref<16x9xf32, #tpu.memory_space<vmem>>, vector<1x1xf32>
    %get3A_224 = vector.extract %get3A_223[0, 0] : f32 from vector<1x1xf32>
    %mul3A_225 = vector.broadcast %get3A_224 : f32 to vector<16x256xf32>
    %mul3A_226 = arith.mulf %mul3A_225, %sub3A_23 : vector<16x256xf32>
    %get3A_227 = arith.constant 2 : index
    %get3A_228 = arith.constant 1 : index
    %get3A_229 = vector.load %arg4[%get3A_227, %get3A_228] : memref<16x9xf32, #tpu.memory_space<vmem>>, vector<1x1xf32>
    %get3A_230 = vector.extract %get3A_229[0, 0] : f32 from vector<1x1xf32>
    %mul3A_231 = vector.broadcast %get3A_230 : f32 to vector<16x256xf32>
    %mul3A_232 = arith.mulf %mul3A_231, %sub3A_25 : vector<16x256xf32>
    %add3A_233 = arith.addf %mul3A_226, %mul3A_232 : vector<16x256xf32>
    %get3A_234 = arith.constant 2 : index
    %get3A_235 = arith.constant 2 : index
    %get3A_236 = vector.load %arg4[%get3A_234, %get3A_235] : memref<16x9xf32, #tpu.memory_space<vmem>>, vector<1x1xf32>
    %get3A_237 = vector.extract %get3A_236[0, 0] : f32 from vector<1x1xf32>
    %mul3A_238 = vector.broadcast %get3A_237 : f32 to vector<16x256xf32>
    %mul3A_239 = arith.mulf %mul3A_238, %sub3A_27 : vector<16x256xf32>
    %add3A_240 = arith.addf %add3A_233, %mul3A_239 : vector<16x256xf32>
    %get3A_241 = arith.constant 2 : index
    %get3A_242 = arith.constant 3 : index
    %get3A_243 = vector.load %arg4[%get3A_241, %get3A_242] : memref<16x9xf32, #tpu.memory_space<vmem>>, vector<1x1xf32>
    %get3A_244 = vector.extract %get3A_243[0, 0] : f32 from vector<1x1xf32>
    %mul3A_245 = vector.broadcast %get3A_244 : f32 to vector<16x256xf32>
    %mul3A_246 = arith.mulf %mul3A_245, %sub3A_23 : vector<16x256xf32>
    %get3A_247 = arith.constant 2 : index
    %get3A_248 = arith.constant 4 : index
    %get3A_249 = vector.load %arg4[%get3A_247, %get3A_248] : memref<16x9xf32, #tpu.memory_space<vmem>>, vector<1x1xf32>
    %get3A_250 = vector.extract %get3A_249[0, 0] : f32 from vector<1x1xf32>
    %mul3A_251 = vector.broadcast %get3A_250 : f32 to vector<16x256xf32>
    %mul3A_252 = arith.mulf %mul3A_251, %sub3A_25 : vector<16x256xf32>
    %add3A_253 = arith.addf %mul3A_246, %mul3A_252 : vector<16x256xf32>
    %get3A_254 = arith.constant 2 : index
    %get3A_255 = arith.constant 5 : index
    %get3A_256 = vector.load %arg4[%get3A_254, %get3A_255] : memref<16x9xf32, #tpu.memory_space<vmem>>, vector<1x1xf32>
    %get3A_257 = vector.extract %get3A_256[0, 0] : f32 from vector<1x1xf32>
    %mul3A_258 = vector.broadcast %get3A_257 : f32 to vector<16x256xf32>
    %mul3A_259 = arith.mulf %mul3A_258, %sub3A_27 : vector<16x256xf32>
    %add3A_260 = arith.addf %add3A_253, %mul3A_259 : vector<16x256xf32>
    %mul3A_261 = arith.mulf %add3A_240, %add3A_240 : vector<16x256xf32>
    %mul3A_262 = arith.mulf %add3A_260, %add3A_260 : vector<16x256xf32>
    %add3A_263 = arith.addf %mul3A_261, %mul3A_262 : vector<16x256xf32>
    %get3A_264 = arith.constant 0 : index
    %get3A_265 = arith.constant 2 : index
    %get3A_266 = vector.load %arg5[%get3A_264, %get3A_265] : memref<8x16xf32, #tpu.memory_space<vmem>>, vector<1x1xf32>
    %get3A_267 = vector.extract %get3A_266[0, 0] : f32 from vector<1x1xf32>
    %neg3A_268 = arith.constant 0.000000e+00 : f32
    %neg3A_269 = vector.broadcast %neg3A_268 : f32 to vector<16x256xf32>
    %neg3A_270 = arith.subf %neg3A_269, %add3A_263 : vector<16x256xf32>
    %mul3A_271 = arith.constant 2.000000e+00 : f32
    %mul3A_272 = arith.mulf %mul3A_271, %get3A_267 : f32
    %mul3A_273 = arith.mulf %mul3A_272, %get3A_267 : f32
    %add3A_274 = arith.constant 9.99999997E-7 : f32
    %add3A_275 = arith.addf %mul3A_273, %add3A_274 : f32
    %div3A_276 = vector.broadcast %add3A_275 : f32 to vector<16x256xf32>
    %div3A_277 = arith.divf %neg3A_270, %div3A_276 : vector<16x256xf32>
    %exp3A_278 = math.exp %div3A_277 : vector<16x256xf32>
    %reduce_sum3A_279 = arith.constant dense<0.000000e+00> : vector<256xf32>
    %reduce_sum3A_280 = vector.multi_reduction <add>, %exp3A_278, %reduce_sum3A_279 [0] : vector<16x256xf32> to vector<256xf32>
    %broadcast_in_dim3A_281 = vector.shape_cast %reduce_sum3A_280 : vector<256xf32> to vector<1x256xf32>
    %mul3A_282 = arith.constant 6.250000e-02 : f32
    %mul3A_283 = vector.broadcast %mul3A_282 : f32 to vector<1x256xf32>
    %mul3A_284 = arith.mulf %broadcast_in_dim3A_281, %mul3A_283 : vector<1x256xf32>
    %slice3A_285 = vector.extract_strided_slice %get3A_32 {offsets = [2, 0], sizes = [1, 512], strides = [1, 1]} : vector<16x512xf32> to vector<1x512xf32>
    %slice3A_286 = vector.extract_strided_slice %get3A_37 {offsets = [2, 0], sizes = [1, 512], strides = [1, 1]} : vector<16x512xf32> to vector<1x512xf32>
    %mul3A_287 = arith.mulf %slice3A_285, %slice3A_285 : vector<1x512xf32>
    %mul3A_288 = arith.mulf %slice3A_286, %slice3A_286 : vector<1x512xf32>
    %add3A_289 = arith.addf %mul3A_287, %mul3A_288 : vector<1x512xf32>
    %get3A_290 = arith.constant 0 : index
    %get3A_291 = arith.constant 2 : index
    %get3A_292 = vector.load %arg5[%get3A_290, %get3A_291] : memref<8x16xf32, #tpu.memory_space<vmem>>, vector<1x1xf32>
    %get3A_293 = vector.extract %get3A_292[0, 0] : f32 from vector<1x1xf32>
    %neg3A_294 = arith.constant 0.000000e+00 : f32
    %neg3A_295 = vector.broadcast %neg3A_294 : f32 to vector<1x512xf32>
    %neg3A_296 = arith.subf %neg3A_295, %add3A_289 : vector<1x512xf32>
    %mul3A_297 = arith.constant 2.000000e+00 : f32
    %mul3A_298 = arith.mulf %mul3A_297, %get3A_293 : f32
    %mul3A_299 = arith.mulf %mul3A_298, %get3A_293 : f32
    %add3A_300 = arith.constant 9.99999997E-7 : f32
    %add3A_301 = arith.addf %mul3A_299, %add3A_300 : f32
    %div3A_302 = vector.broadcast %add3A_301 : f32 to vector<1x512xf32>
    %div3A_303 = arith.divf %neg3A_296, %div3A_302 : vector<1x512xf32>
    %exp3A_304 = math.exp %div3A_303 : vector<1x512xf32>
    %reduce_sum3A_305 = vector.shape_cast %exp3A_304 : vector<1x512xf32> to vector<1x1x512xf32>
    %reduce_sum3A_306 = arith.constant dense<0.000000e+00> : vector<1xf32>
    %reduce_sum3A_307 = vector.multi_reduction <add>, %reduce_sum3A_305, %reduce_sum3A_306 [1, 2] : vector<1x1x512xf32> to vector<1xf32>
    %reduce_sum3A_308 = vector.shape_cast %reduce_sum3A_307 : vector<1xf32> to vector<1x1x1xf32>
    %reduce_sum3A_309 = vector.extract %reduce_sum3A_308[0, 0, 0] : f32 from vector<1x1x1xf32>
    %mul3A_310 = arith.constant 0.001953125 : f32
    %mul3A_311 = arith.mulf %reduce_sum3A_309, %mul3A_310 : f32
    %sub3A_312 = vector.broadcast %mul3A_311 : f32 to vector<1x256xf32>
    %sub3A_313 = arith.subf %mul3A_284, %sub3A_312 : vector<1x256xf32>
    %get3A_314 = arith.constant 3 : index
    %get3A_315 = arith.constant 0 : index
    %get3A_316 = vector.load %arg4[%get3A_314, %get3A_315] : memref<16x9xf32, #tpu.memory_space<vmem>>, vector<1x1xf32>
    %get3A_317 = vector.extract %get3A_316[0, 0] : f32 from vector<1x1xf32>
    %mul3A_318 = vector.broadcast %get3A_317 : f32 to vector<16x256xf32>
    %mul3A_319 = arith.mulf %mul3A_318, %sub3A_23 : vector<16x256xf32>
    %get3A_320 = arith.constant 3 : index
    %get3A_321 = arith.constant 1 : index
    %get3A_322 = vector.load %arg4[%get3A_320, %get3A_321] : memref<16x9xf32, #tpu.memory_space<vmem>>, vector<1x1xf32>
    %get3A_323 = vector.extract %get3A_322[0, 0] : f32 from vector<1x1xf32>
    %mul3A_324 = vector.broadcast %get3A_323 : f32 to vector<16x256xf32>
    %mul3A_325 = arith.mulf %mul3A_324, %sub3A_25 : vector<16x256xf32>
    %add3A_326 = arith.addf %mul3A_319, %mul3A_325 : vector<16x256xf32>
    %get3A_327 = arith.constant 3 : index
    %get3A_328 = arith.constant 2 : index
    %get3A_329 = vector.load %arg4[%get3A_327, %get3A_328] : memref<16x9xf32, #tpu.memory_space<vmem>>, vector<1x1xf32>
    %get3A_330 = vector.extract %get3A_329[0, 0] : f32 from vector<1x1xf32>
    %mul3A_331 = vector.broadcast %get3A_330 : f32 to vector<16x256xf32>
    %mul3A_332 = arith.mulf %mul3A_331, %sub3A_27 : vector<16x256xf32>
    %add3A_333 = arith.addf %add3A_326, %mul3A_332 : vector<16x256xf32>
    %get3A_334 = arith.constant 3 : index
    %get3A_335 = arith.constant 3 : index
    %get3A_336 = vector.load %arg4[%get3A_334, %get3A_335] : memref<16x9xf32, #tpu.memory_space<vmem>>, vector<1x1xf32>
    %get3A_337 = vector.extract %get3A_336[0, 0] : f32 from vector<1x1xf32>
    %mul3A_338 = vector.broadcast %get3A_337 : f32 to vector<16x256xf32>
    %mul3A_339 = arith.mulf %mul3A_338, %sub3A_23 : vector<16x256xf32>
    %get3A_340 = arith.constant 3 : index
    %get3A_341 = arith.constant 4 : index
    %get3A_342 = vector.load %arg4[%get3A_340, %get3A_341] : memref<16x9xf32, #tpu.memory_space<vmem>>, vector<1x1xf32>
    %get3A_343 = vector.extract %get3A_342[0, 0] : f32 from vector<1x1xf32>
    %mul3A_344 = vector.broadcast %get3A_343 : f32 to vector<16x256xf32>
    %mul3A_345 = arith.mulf %mul3A_344, %sub3A_25 : vector<16x256xf32>
    %add3A_346 = arith.addf %mul3A_339, %mul3A_345 : vector<16x256xf32>
    %get3A_347 = arith.constant 3 : index
    %get3A_348 = arith.constant 5 : index
    %get3A_349 = vector.load %arg4[%get3A_347, %get3A_348] : memref<16x9xf32, #tpu.memory_space<vmem>>, vector<1x1xf32>
    %get3A_350 = vector.extract %get3A_349[0, 0] : f32 from vector<1x1xf32>
    %mul3A_351 = vector.broadcast %get3A_350 : f32 to vector<16x256xf32>
    %mul3A_352 = arith.mulf %mul3A_351, %sub3A_27 : vector<16x256xf32>
    %add3A_353 = arith.addf %add3A_346, %mul3A_352 : vector<16x256xf32>
    %mul3A_354 = arith.mulf %add3A_333, %add3A_333 : vector<16x256xf32>
    %mul3A_355 = arith.mulf %add3A_353, %add3A_353 : vector<16x256xf32>
    %add3A_356 = arith.addf %mul3A_354, %mul3A_355 : vector<16x256xf32>
    %get3A_357 = arith.constant 0 : index
    %get3A_358 = arith.constant 3 : index
    %get3A_359 = vector.load %arg5[%get3A_357, %get3A_358] : memref<8x16xf32, #tpu.memory_space<vmem>>, vector<1x1xf32>
    %get3A_360 = vector.extract %get3A_359[0, 0] : f32 from vector<1x1xf32>
    %neg3A_361 = arith.constant 0.000000e+00 : f32
    %neg3A_362 = vector.broadcast %neg3A_361 : f32 to vector<16x256xf32>
    %neg3A_363 = arith.subf %neg3A_362, %add3A_356 : vector<16x256xf32>
    %mul3A_364 = arith.constant 2.000000e+00 : f32
    %mul3A_365 = arith.mulf %mul3A_364, %get3A_360 : f32
    %mul3A_366 = arith.mulf %mul3A_365, %get3A_360 : f32
    %add3A_367 = arith.constant 9.99999997E-7 : f32
    %add3A_368 = arith.addf %mul3A_366, %add3A_367 : f32
    %div3A_369 = vector.broadcast %add3A_368 : f32 to vector<16x256xf32>
    %div3A_370 = arith.divf %neg3A_363, %div3A_369 : vector<16x256xf32>
    %exp3A_371 = math.exp %div3A_370 : vector<16x256xf32>
    %reduce_sum3A_372 = arith.constant dense<0.000000e+00> : vector<256xf32>
    %reduce_sum3A_373 = vector.multi_reduction <add>, %exp3A_371, %reduce_sum3A_372 [0] : vector<16x256xf32> to vector<256xf32>
    %broadcast_in_dim3A_374 = vector.shape_cast %reduce_sum3A_373 : vector<256xf32> to vector<1x256xf32>
    %mul3A_375 = arith.constant 6.250000e-02 : f32
    %mul3A_376 = vector.broadcast %mul3A_375 : f32 to vector<1x256xf32>
    %mul3A_377 = arith.mulf %broadcast_in_dim3A_374, %mul3A_376 : vector<1x256xf32>
    %slice3A_378 = vector.extract_strided_slice %get3A_32 {offsets = [3, 0], sizes = [1, 512], strides = [1, 1]} : vector<16x512xf32> to vector<1x512xf32>
    %slice3A_379 = vector.extract_strided_slice %get3A_37 {offsets = [3, 0], sizes = [1, 512], strides = [1, 1]} : vector<16x512xf32> to vector<1x512xf32>
    %mul3A_380 = arith.mulf %slice3A_378, %slice3A_378 : vector<1x512xf32>
    %mul3A_381 = arith.mulf %slice3A_379, %slice3A_379 : vector<1x512xf32>
    %add3A_382 = arith.addf %mul3A_380, %mul3A_381 : vector<1x512xf32>
    %get3A_383 = arith.constant 0 : index
    %get3A_384 = arith.constant 3 : index
    %get3A_385 = vector.load %arg5[%get3A_383, %get3A_384] : memref<8x16xf32, #tpu.memory_space<vmem>>, vector<1x1xf32>
    %get3A_386 = vector.extract %get3A_385[0, 0] : f32 from vector<1x1xf32>
    %neg3A_387 = arith.constant 0.000000e+00 : f32
    %neg3A_388 = vector.broadcast %neg3A_387 : f32 to vector<1x512xf32>
    %neg3A_389 = arith.subf %neg3A_388, %add3A_382 : vector<1x512xf32>
    %mul3A_390 = arith.constant 2.000000e+00 : f32
    %mul3A_391 = arith.mulf %mul3A_390, %get3A_386 : f32
    %mul3A_392 = arith.mulf %mul3A_391, %get3A_386 : f32
    %add3A_393 = arith.constant 9.99999997E-7 : f32
    %add3A_394 = arith.addf %mul3A_392, %add3A_393 : f32
    %div3A_395 = vector.broadcast %add3A_394 : f32 to vector<1x512xf32>
    %div3A_396 = arith.divf %neg3A_389, %div3A_395 : vector<1x512xf32>
    %exp3A_397 = math.exp %div3A_396 : vector<1x512xf32>
    %reduce_sum3A_398 = vector.shape_cast %exp3A_397 : vector<1x512xf32> to vector<1x1x512xf32>
    %reduce_sum3A_399 = arith.constant dense<0.000000e+00> : vector<1xf32>
    %reduce_sum3A_400 = vector.multi_reduction <add>, %reduce_sum3A_398, %reduce_sum3A_399 [1, 2] : vector<1x1x512xf32> to vector<1xf32>
    %reduce_sum3A_401 = vector.shape_cast %reduce_sum3A_400 : vector<1xf32> to vector<1x1x1xf32>
    %reduce_sum3A_402 = vector.extract %reduce_sum3A_401[0, 0, 0] : f32 from vector<1x1x1xf32>
    %mul3A_403 = arith.constant 0.001953125 : f32
    %mul3A_404 = arith.mulf %reduce_sum3A_402, %mul3A_403 : f32
    %sub3A_405 = vector.broadcast %mul3A_404 : f32 to vector<1x256xf32>
    %sub3A_406 = arith.subf %mul3A_377, %sub3A_405 : vector<1x256xf32>
    %get3A_407 = arith.constant 4 : index
    %get3A_408 = arith.constant 0 : index
    %get3A_409 = vector.load %arg4[%get3A_407, %get3A_408] : memref<16x9xf32, #tpu.memory_space<vmem>>, vector<1x1xf32>
    %get3A_410 = vector.extract %get3A_409[0, 0] : f32 from vector<1x1xf32>
    %mul3A_411 = vector.broadcast %get3A_410 : f32 to vector<16x256xf32>
    %mul3A_412 = arith.mulf %mul3A_411, %sub3A_23 : vector<16x256xf32>
    %get3A_413 = arith.constant 4 : index
    %get3A_414 = arith.constant 1 : index
    %get3A_415 = vector.load %arg4[%get3A_413, %get3A_414] : memref<16x9xf32, #tpu.memory_space<vmem>>, vector<1x1xf32>
    %get3A_416 = vector.extract %get3A_415[0, 0] : f32 from vector<1x1xf32>
    %mul3A_417 = vector.broadcast %get3A_416 : f32 to vector<16x256xf32>
    %mul3A_418 = arith.mulf %mul3A_417, %sub3A_25 : vector<16x256xf32>
    %add3A_419 = arith.addf %mul3A_412, %mul3A_418 : vector<16x256xf32>
    %get3A_420 = arith.constant 4 : index
    %get3A_421 = arith.constant 2 : index
    %get3A_422 = vector.load %arg4[%get3A_420, %get3A_421] : memref<16x9xf32, #tpu.memory_space<vmem>>, vector<1x1xf32>
    %get3A_423 = vector.extract %get3A_422[0, 0] : f32 from vector<1x1xf32>
    %mul3A_424 = vector.broadcast %get3A_423 : f32 to vector<16x256xf32>
    %mul3A_425 = arith.mulf %mul3A_424, %sub3A_27 : vector<16x256xf32>
    %add3A_426 = arith.addf %add3A_419, %mul3A_425 : vector<16x256xf32>
    %get3A_427 = arith.constant 4 : index
    %get3A_428 = arith.constant 3 : index
    %get3A_429 = vector.load %arg4[%get3A_427, %get3A_428] : memref<16x9xf32, #tpu.memory_space<vmem>>, vector<1x1xf32>
    %get3A_430 = vector.extract %get3A_429[0, 0] : f32 from vector<1x1xf32>
    %mul3A_431 = vector.broadcast %get3A_430 : f32 to vector<16x256xf32>
    %mul3A_432 = arith.mulf %mul3A_431, %sub3A_23 : vector<16x256xf32>
    %get3A_433 = arith.constant 4 : index
    %get3A_434 = arith.constant 4 : index
    %get3A_435 = vector.load %arg4[%get3A_433, %get3A_434] : memref<16x9xf32, #tpu.memory_space<vmem>>, vector<1x1xf32>
    %get3A_436 = vector.extract %get3A_435[0, 0] : f32 from vector<1x1xf32>
    %mul3A_437 = vector.broadcast %get3A_436 : f32 to vector<16x256xf32>
    %mul3A_438 = arith.mulf %mul3A_437, %sub3A_25 : vector<16x256xf32>
    %add3A_439 = arith.addf %mul3A_432, %mul3A_438 : vector<16x256xf32>
    %get3A_440 = arith.constant 4 : index
    %get3A_441 = arith.constant 5 : index
    %get3A_442 = vector.load %arg4[%get3A_440, %get3A_441] : memref<16x9xf32, #tpu.memory_space<vmem>>, vector<1x1xf32>
    %get3A_443 = vector.extract %get3A_442[0, 0] : f32 from vector<1x1xf32>
    %mul3A_444 = vector.broadcast %get3A_443 : f32 to vector<16x256xf32>
    %mul3A_445 = arith.mulf %mul3A_444, %sub3A_27 : vector<16x256xf32>
    %add3A_446 = arith.addf %add3A_439, %mul3A_445 : vector<16x256xf32>
    %get3A_447 = arith.constant 4 : index
    %get3A_448 = arith.constant 6 : index
    %get3A_449 = vector.load %arg4[%get3A_447, %get3A_448] : memref<16x9xf32, #tpu.memory_space<vmem>>, vector<1x1xf32>
    %get3A_450 = vector.extract %get3A_449[0, 0] : f32 from vector<1x1xf32>
    %mul3A_451 = vector.broadcast %get3A_450 : f32 to vector<16x256xf32>
    %mul3A_452 = arith.mulf %mul3A_451, %sub3A_23 : vector<16x256xf32>
    %get3A_453 = arith.constant 4 : index
    %get3A_454 = arith.constant 7 : index
    %get3A_455 = vector.load %arg4[%get3A_453, %get3A_454] : memref<16x9xf32, #tpu.memory_space<vmem>>, vector<1x1xf32>
    %get3A_456 = vector.extract %get3A_455[0, 0] : f32 from vector<1x1xf32>
    %mul3A_457 = vector.broadcast %get3A_456 : f32 to vector<16x256xf32>
    %mul3A_458 = arith.mulf %mul3A_457, %sub3A_25 : vector<16x256xf32>
    %add3A_459 = arith.addf %mul3A_452, %mul3A_458 : vector<16x256xf32>
    %get3A_460 = arith.constant 4 : index
    %get3A_461 = arith.constant 8 : index
    %get3A_462 = vector.load %arg4[%get3A_460, %get3A_461] : memref<16x9xf32, #tpu.memory_space<vmem>>, vector<1x1xf32>
    %get3A_463 = vector.extract %get3A_462[0, 0] : f32 from vector<1x1xf32>
    %mul3A_464 = vector.broadcast %get3A_463 : f32 to vector<16x256xf32>
    %mul3A_465 = arith.mulf %mul3A_464, %sub3A_27 : vector<16x256xf32>
    %add3A_466 = arith.addf %add3A_459, %mul3A_465 : vector<16x256xf32>
    %mul3A_467 = arith.mulf %add3A_426, %add3A_426 : vector<16x256xf32>
    %mul3A_468 = arith.mulf %add3A_446, %add3A_446 : vector<16x256xf32>
    %add3A_469 = arith.addf %mul3A_467, %mul3A_468 : vector<16x256xf32>
    %get3A_470 = arith.constant 1 : index
    %get3A_471 = arith.constant 0 : index
    %get3A_472 = vector.load %arg5[%get3A_470, %get3A_471] : memref<8x16xf32, #tpu.memory_space<vmem>>, vector<1x1xf32>
    %get3A_473 = vector.extract %get3A_472[0, 0] : f32 from vector<1x1xf32>
    %abs3A = math.absf %get3A_473 : f32
    %add3A_474 = arith.constant 2.000000e+00 : f32
    %add3A_475 = vector.broadcast %add3A_474 : f32 to vector<16x256xf32>
    %add3A_476 = arith.addf %add3A_466, %add3A_475 : vector<16x256xf32>
    %div3A_477 = arith.constant 4.000000e+00 : f32
    %div3A_478 = vector.broadcast %div3A_477 : f32 to vector<16x256xf32>
    %div3A_479 = arith.divf %add3A_476, %div3A_478 : vector<16x256xf32>
    %jit3A = arith.constant 5.000000e-02 : f32
    %jit3A_480 = arith.constant 1.000000e+00 : f32
    %max3A = vector.broadcast %jit3A : f32 to vector<16x256xf32>
    %max3A_481 = arith.maximumf %max3A, %div3A_479 : vector<16x256xf32>
    %min3A = vector.broadcast %jit3A_480 : f32 to vector<16x256xf32>
    %min3A_482 = arith.minimumf %min3A, %max3A_481 : vector<16x256xf32>
    %mul3A_483 = vector.broadcast %abs3A : f32 to vector<16x256xf32>
    %mul3A_484 = arith.mulf %mul3A_483, %min3A_482 : vector<16x256xf32>
    %neg3A_485 = arith.constant 0.000000e+00 : f32
    %neg3A_486 = vector.broadcast %neg3A_485 : f32 to vector<16x256xf32>
    %neg3A_487 = arith.subf %neg3A_486, %add3A_469 : vector<16x256xf32>
    %mul3A_488 = arith.constant 2.000000e+00 : f32
    %mul3A_489 = vector.broadcast %mul3A_488 : f32 to vector<16x256xf32>
    %mul3A_490 = arith.mulf %mul3A_489, %mul3A_484 : vector<16x256xf32>
    %mul3A_491 = arith.mulf %mul3A_490, %mul3A_484 : vector<16x256xf32>
    %add3A_492 = arith.constant 9.99999997E-7 : f32
    %add3A_493 = vector.broadcast %add3A_492 : f32 to vector<16x256xf32>
    %add3A_494 = arith.addf %mul3A_491, %add3A_493 : vector<16x256xf32>
    %div3A_495 = arith.divf %neg3A_487, %add3A_494 : vector<16x256xf32>
    %exp3A_496 = math.exp %div3A_495 : vector<16x256xf32>
    %reduce_sum3A_497 = arith.constant dense<0.000000e+00> : vector<256xf32>
    %reduce_sum3A_498 = vector.multi_reduction <add>, %exp3A_496, %reduce_sum3A_497 [0] : vector<16x256xf32> to vector<256xf32>
    %broadcast_in_dim3A_499 = vector.shape_cast %reduce_sum3A_498 : vector<256xf32> to vector<1x256xf32>
    %mul3A_500 = arith.constant 6.250000e-02 : f32
    %mul3A_501 = vector.broadcast %mul3A_500 : f32 to vector<1x256xf32>
    %mul3A_502 = arith.mulf %broadcast_in_dim3A_499, %mul3A_501 : vector<1x256xf32>
    %slice3A_503 = vector.extract_strided_slice %get3A_32 {offsets = [4, 0], sizes = [1, 512], strides = [1, 1]} : vector<16x512xf32> to vector<1x512xf32>
    %slice3A_504 = vector.extract_strided_slice %get3A_37 {offsets = [4, 0], sizes = [1, 512], strides = [1, 1]} : vector<16x512xf32> to vector<1x512xf32>
    %slice3A_505 = vector.extract_strided_slice %get3A_42 {offsets = [4, 0], sizes = [1, 512], strides = [1, 1]} : vector<16x512xf32> to vector<1x512xf32>
    %mul3A_506 = arith.mulf %slice3A_503, %slice3A_503 : vector<1x512xf32>
    %mul3A_507 = arith.mulf %slice3A_504, %slice3A_504 : vector<1x512xf32>
    %add3A_508 = arith.addf %mul3A_506, %mul3A_507 : vector<1x512xf32>
    %get3A_509 = arith.constant 1 : index
    %get3A_510 = arith.constant 0 : index
    %get3A_511 = vector.load %arg5[%get3A_509, %get3A_510] : memref<8x16xf32, #tpu.memory_space<vmem>>, vector<1x1xf32>
    %get3A_512 = vector.extract %get3A_511[0, 0] : f32 from vector<1x1xf32>
    %abs3A_513 = math.absf %get3A_512 : f32
    %add3A_514 = arith.constant 2.000000e+00 : f32
    %add3A_515 = vector.broadcast %add3A_514 : f32 to vector<1x512xf32>
    %add3A_516 = arith.addf %slice3A_505, %add3A_515 : vector<1x512xf32>
    %div3A_517 = arith.constant 4.000000e+00 : f32
    %div3A_518 = vector.broadcast %div3A_517 : f32 to vector<1x512xf32>
    %div3A_519 = arith.divf %add3A_516, %div3A_518 : vector<1x512xf32>
    %jit3A_520 = arith.constant 5.000000e-02 : f32
    %jit3A_521 = arith.constant 1.000000e+00 : f32
    %max3A_522 = vector.broadcast %jit3A_520 : f32 to vector<1x512xf32>
    %max3A_523 = arith.maximumf %max3A_522, %div3A_519 : vector<1x512xf32>
    %min3A_524 = vector.broadcast %jit3A_521 : f32 to vector<1x512xf32>
    %min3A_525 = arith.minimumf %min3A_524, %max3A_523 : vector<1x512xf32>
    %mul3A_526 = vector.broadcast %abs3A_513 : f32 to vector<1x512xf32>
    %mul3A_527 = arith.mulf %mul3A_526, %min3A_525 : vector<1x512xf32>
    %neg3A_528 = arith.constant 0.000000e+00 : f32
    %neg3A_529 = vector.broadcast %neg3A_528 : f32 to vector<1x512xf32>
    %neg3A_530 = arith.subf %neg3A_529, %add3A_508 : vector<1x512xf32>
    %mul3A_531 = arith.constant 2.000000e+00 : f32
    %mul3A_532 = vector.broadcast %mul3A_531 : f32 to vector<1x512xf32>
    %mul3A_533 = arith.mulf %mul3A_532, %mul3A_527 : vector<1x512xf32>
    %mul3A_534 = arith.mulf %mul3A_533, %mul3A_527 : vector<1x512xf32>
    %add3A_535 = arith.constant 9.99999997E-7 : f32
    %add3A_536 = vector.broadcast %add3A_535 : f32 to vector<1x512xf32>
    %add3A_537 = arith.addf %mul3A_534, %add3A_536 : vector<1x512xf32>
    %div3A_538 = arith.divf %neg3A_530, %add3A_537 : vector<1x512xf32>
    %exp3A_539 = math.exp %div3A_538 : vector<1x512xf32>
    %reduce_sum3A_540 = vector.shape_cast %exp3A_539 : vector<1x512xf32> to vector<1x1x512xf32>
    %reduce_sum3A_541 = arith.constant dense<0.000000e+00> : vector<1xf32>
    %reduce_sum3A_542 = vector.multi_reduction <add>, %reduce_sum3A_540, %reduce_sum3A_541 [1, 2] : vector<1x1x512xf32> to vector<1xf32>
    %reduce_sum3A_543 = vector.shape_cast %reduce_sum3A_542 : vector<1xf32> to vector<1x1x1xf32>
    %reduce_sum3A_544 = vector.extract %reduce_sum3A_543[0, 0, 0] : f32 from vector<1x1x1xf32>
    %mul3A_545 = arith.constant 0.001953125 : f32
    %mul3A_546 = arith.mulf %reduce_sum3A_544, %mul3A_545 : f32
    %sub3A_547 = vector.broadcast %mul3A_546 : f32 to vector<1x256xf32>
    %sub3A_548 = arith.subf %mul3A_502, %sub3A_547 : vector<1x256xf32>
    %get3A_549 = arith.constant 5 : index
    %get3A_550 = arith.constant 0 : index
    %get3A_551 = vector.load %arg4[%get3A_549, %get3A_550] : memref<16x9xf32, #tpu.memory_space<vmem>>, vector<1x1xf32>
    %get3A_552 = vector.extract %get3A_551[0, 0] : f32 from vector<1x1xf32>
    %mul3A_553 = vector.broadcast %get3A_552 : f32 to vector<16x256xf32>
    %mul3A_554 = arith.mulf %mul3A_553, %sub3A_23 : vector<16x256xf32>
    %get3A_555 = arith.constant 5 : index
    %get3A_556 = arith.constant 1 : index
    %get3A_557 = vector.load %arg4[%get3A_555, %get3A_556] : memref<16x9xf32, #tpu.memory_space<vmem>>, vector<1x1xf32>
    %get3A_558 = vector.extract %get3A_557[0, 0] : f32 from vector<1x1xf32>
    %mul3A_559 = vector.broadcast %get3A_558 : f32 to vector<16x256xf32>
    %mul3A_560 = arith.mulf %mul3A_559, %sub3A_25 : vector<16x256xf32>
    %add3A_561 = arith.addf %mul3A_554, %mul3A_560 : vector<16x256xf32>
    %get3A_562 = arith.constant 5 : index
    %get3A_563 = arith.constant 2 : index
    %get3A_564 = vector.load %arg4[%get3A_562, %get3A_563] : memref<16x9xf32, #tpu.memory_space<vmem>>, vector<1x1xf32>
    %get3A_565 = vector.extract %get3A_564[0, 0] : f32 from vector<1x1xf32>
    %mul3A_566 = vector.broadcast %get3A_565 : f32 to vector<16x256xf32>
    %mul3A_567 = arith.mulf %mul3A_566, %sub3A_27 : vector<16x256xf32>
    %add3A_568 = arith.addf %add3A_561, %mul3A_567 : vector<16x256xf32>
    %get3A_569 = arith.constant 5 : index
    %get3A_570 = arith.constant 3 : index
    %get3A_571 = vector.load %arg4[%get3A_569, %get3A_570] : memref<16x9xf32, #tpu.memory_space<vmem>>, vector<1x1xf32>
    %get3A_572 = vector.extract %get3A_571[0, 0] : f32 from vector<1x1xf32>
    %mul3A_573 = vector.broadcast %get3A_572 : f32 to vector<16x256xf32>
    %mul3A_574 = arith.mulf %mul3A_573, %sub3A_23 : vector<16x256xf32>
    %get3A_575 = arith.constant 5 : index
    %get3A_576 = arith.constant 4 : index
    %get3A_577 = vector.load %arg4[%get3A_575, %get3A_576] : memref<16x9xf32, #tpu.memory_space<vmem>>, vector<1x1xf32>
    %get3A_578 = vector.extract %get3A_577[0, 0] : f32 from vector<1x1xf32>
    %mul3A_579 = vector.broadcast %get3A_578 : f32 to vector<16x256xf32>
    %mul3A_580 = arith.mulf %mul3A_579, %sub3A_25 : vector<16x256xf32>
    %add3A_581 = arith.addf %mul3A_574, %mul3A_580 : vector<16x256xf32>
    %get3A_582 = arith.constant 5 : index
    %get3A_583 = arith.constant 5 : index
    %get3A_584 = vector.load %arg4[%get3A_582, %get3A_583] : memref<16x9xf32, #tpu.memory_space<vmem>>, vector<1x1xf32>
    %get3A_585 = vector.extract %get3A_584[0, 0] : f32 from vector<1x1xf32>
    %mul3A_586 = vector.broadcast %get3A_585 : f32 to vector<16x256xf32>
    %mul3A_587 = arith.mulf %mul3A_586, %sub3A_27 : vector<16x256xf32>
    %add3A_588 = arith.addf %add3A_581, %mul3A_587 : vector<16x256xf32>
    %get3A_589 = arith.constant 5 : index
    %get3A_590 = arith.constant 6 : index
    %get3A_591 = vector.load %arg4[%get3A_589, %get3A_590] : memref<16x9xf32, #tpu.memory_space<vmem>>, vector<1x1xf32>
    %get3A_592 = vector.extract %get3A_591[0, 0] : f32 from vector<1x1xf32>
    %mul3A_593 = vector.broadcast %get3A_592 : f32 to vector<16x256xf32>
    %mul3A_594 = arith.mulf %mul3A_593, %sub3A_23 : vector<16x256xf32>
    %get3A_595 = arith.constant 5 : index
    %get3A_596 = arith.constant 7 : index
    %get3A_597 = vector.load %arg4[%get3A_595, %get3A_596] : memref<16x9xf32, #tpu.memory_space<vmem>>, vector<1x1xf32>
    %get3A_598 = vector.extract %get3A_597[0, 0] : f32 from vector<1x1xf32>
    %mul3A_599 = vector.broadcast %get3A_598 : f32 to vector<16x256xf32>
    %mul3A_600 = arith.mulf %mul3A_599, %sub3A_25 : vector<16x256xf32>
    %add3A_601 = arith.addf %mul3A_594, %mul3A_600 : vector<16x256xf32>
    %get3A_602 = arith.constant 5 : index
    %get3A_603 = arith.constant 8 : index
    %get3A_604 = vector.load %arg4[%get3A_602, %get3A_603] : memref<16x9xf32, #tpu.memory_space<vmem>>, vector<1x1xf32>
    %get3A_605 = vector.extract %get3A_604[0, 0] : f32 from vector<1x1xf32>
    %mul3A_606 = vector.broadcast %get3A_605 : f32 to vector<16x256xf32>
    %mul3A_607 = arith.mulf %mul3A_606, %sub3A_27 : vector<16x256xf32>
    %add3A_608 = arith.addf %add3A_601, %mul3A_607 : vector<16x256xf32>
    %mul3A_609 = arith.mulf %add3A_568, %add3A_568 : vector<16x256xf32>
    %mul3A_610 = arith.mulf %add3A_588, %add3A_588 : vector<16x256xf32>
    %add3A_611 = arith.addf %mul3A_609, %mul3A_610 : vector<16x256xf32>
    %get3A_612 = arith.constant 1 : index
    %get3A_613 = arith.constant 1 : index
    %get3A_614 = vector.load %arg5[%get3A_612, %get3A_613] : memref<8x16xf32, #tpu.memory_space<vmem>>, vector<1x1xf32>
    %get3A_615 = vector.extract %get3A_614[0, 0] : f32 from vector<1x1xf32>
    %abs3A_616 = math.absf %get3A_615 : f32
    %add3A_617 = arith.constant 2.000000e+00 : f32
    %add3A_618 = vector.broadcast %add3A_617 : f32 to vector<16x256xf32>
    %add3A_619 = arith.addf %add3A_608, %add3A_618 : vector<16x256xf32>
    %div3A_620 = arith.constant 4.000000e+00 : f32
    %div3A_621 = vector.broadcast %div3A_620 : f32 to vector<16x256xf32>
    %div3A_622 = arith.divf %add3A_619, %div3A_621 : vector<16x256xf32>
    %jit3A_623 = arith.constant 5.000000e-02 : f32
    %jit3A_624 = arith.constant 1.000000e+00 : f32
    %max3A_625 = vector.broadcast %jit3A_623 : f32 to vector<16x256xf32>
    %max3A_626 = arith.maximumf %max3A_625, %div3A_622 : vector<16x256xf32>
    %min3A_627 = vector.broadcast %jit3A_624 : f32 to vector<16x256xf32>
    %min3A_628 = arith.minimumf %min3A_627, %max3A_626 : vector<16x256xf32>
    %mul3A_629 = vector.broadcast %abs3A_616 : f32 to vector<16x256xf32>
    %mul3A_630 = arith.mulf %mul3A_629, %min3A_628 : vector<16x256xf32>
    %neg3A_631 = arith.constant 0.000000e+00 : f32
    %neg3A_632 = vector.broadcast %neg3A_631 : f32 to vector<16x256xf32>
    %neg3A_633 = arith.subf %neg3A_632, %add3A_611 : vector<16x256xf32>
    %mul3A_634 = arith.constant 2.000000e+00 : f32
    %mul3A_635 = vector.broadcast %mul3A_634 : f32 to vector<16x256xf32>
    %mul3A_636 = arith.mulf %mul3A_635, %mul3A_630 : vector<16x256xf32>
    %mul3A_637 = arith.mulf %mul3A_636, %mul3A_630 : vector<16x256xf32>
    %add3A_638 = arith.constant 9.99999997E-7 : f32
    %add3A_639 = vector.broadcast %add3A_638 : f32 to vector<16x256xf32>
    %add3A_640 = arith.addf %mul3A_637, %add3A_639 : vector<16x256xf32>
    %div3A_641 = arith.divf %neg3A_633, %add3A_640 : vector<16x256xf32>
    %exp3A_642 = math.exp %div3A_641 : vector<16x256xf32>
    %reduce_sum3A_643 = arith.constant dense<0.000000e+00> : vector<256xf32>
    %reduce_sum3A_644 = vector.multi_reduction <add>, %exp3A_642, %reduce_sum3A_643 [0] : vector<16x256xf32> to vector<256xf32>
    %broadcast_in_dim3A_645 = vector.shape_cast %reduce_sum3A_644 : vector<256xf32> to vector<1x256xf32>
    %mul3A_646 = arith.constant 6.250000e-02 : f32
    %mul3A_647 = vector.broadcast %mul3A_646 : f32 to vector<1x256xf32>
    %mul3A_648 = arith.mulf %broadcast_in_dim3A_645, %mul3A_647 : vector<1x256xf32>
    %slice3A_649 = vector.extract_strided_slice %get3A_32 {offsets = [5, 0], sizes = [1, 512], strides = [1, 1]} : vector<16x512xf32> to vector<1x512xf32>
    %slice3A_650 = vector.extract_strided_slice %get3A_37 {offsets = [5, 0], sizes = [1, 512], strides = [1, 1]} : vector<16x512xf32> to vector<1x512xf32>
    %slice3A_651 = vector.extract_strided_slice %get3A_42 {offsets = [5, 0], sizes = [1, 512], strides = [1, 1]} : vector<16x512xf32> to vector<1x512xf32>
    %mul3A_652 = arith.mulf %slice3A_649, %slice3A_649 : vector<1x512xf32>
    %mul3A_653 = arith.mulf %slice3A_650, %slice3A_650 : vector<1x512xf32>
    %add3A_654 = arith.addf %mul3A_652, %mul3A_653 : vector<1x512xf32>
    %get3A_655 = arith.constant 1 : index
    %get3A_656 = arith.constant 1 : index
    %get3A_657 = vector.load %arg5[%get3A_655, %get3A_656] : memref<8x16xf32, #tpu.memory_space<vmem>>, vector<1x1xf32>
    %get3A_658 = vector.extract %get3A_657[0, 0] : f32 from vector<1x1xf32>
    %abs3A_659 = math.absf %get3A_658 : f32
    %add3A_660 = arith.constant 2.000000e+00 : f32
    %add3A_661 = vector.broadcast %add3A_660 : f32 to vector<1x512xf32>
    %add3A_662 = arith.addf %slice3A_651, %add3A_661 : vector<1x512xf32>
    %div3A_663 = arith.constant 4.000000e+00 : f32
    %div3A_664 = vector.broadcast %div3A_663 : f32 to vector<1x512xf32>
    %div3A_665 = arith.divf %add3A_662, %div3A_664 : vector<1x512xf32>
    %jit3A_666 = arith.constant 5.000000e-02 : f32
    %jit3A_667 = arith.constant 1.000000e+00 : f32
    %max3A_668 = vector.broadcast %jit3A_666 : f32 to vector<1x512xf32>
    %max3A_669 = arith.maximumf %max3A_668, %div3A_665 : vector<1x512xf32>
    %min3A_670 = vector.broadcast %jit3A_667 : f32 to vector<1x512xf32>
    %min3A_671 = arith.minimumf %min3A_670, %max3A_669 : vector<1x512xf32>
    %mul3A_672 = vector.broadcast %abs3A_659 : f32 to vector<1x512xf32>
    %mul3A_673 = arith.mulf %mul3A_672, %min3A_671 : vector<1x512xf32>
    %neg3A_674 = arith.constant 0.000000e+00 : f32
    %neg3A_675 = vector.broadcast %neg3A_674 : f32 to vector<1x512xf32>
    %neg3A_676 = arith.subf %neg3A_675, %add3A_654 : vector<1x512xf32>
    %mul3A_677 = arith.constant 2.000000e+00 : f32
    %mul3A_678 = vector.broadcast %mul3A_677 : f32 to vector<1x512xf32>
    %mul3A_679 = arith.mulf %mul3A_678, %mul3A_673 : vector<1x512xf32>
    %mul3A_680 = arith.mulf %mul3A_679, %mul3A_673 : vector<1x512xf32>
    %add3A_681 = arith.constant 9.99999997E-7 : f32
    %add3A_682 = vector.broadcast %add3A_681 : f32 to vector<1x512xf32>
    %add3A_683 = arith.addf %mul3A_680, %add3A_682 : vector<1x512xf32>
    %div3A_684 = arith.divf %neg3A_676, %add3A_683 : vector<1x512xf32>
    %exp3A_685 = math.exp %div3A_684 : vector<1x512xf32>
    %reduce_sum3A_686 = vector.shape_cast %exp3A_685 : vector<1x512xf32> to vector<1x1x512xf32>
    %reduce_sum3A_687 = arith.constant dense<0.000000e+00> : vector<1xf32>
    %reduce_sum3A_688 = vector.multi_reduction <add>, %reduce_sum3A_686, %reduce_sum3A_687 [1, 2] : vector<1x1x512xf32> to vector<1xf32>
    %reduce_sum3A_689 = vector.shape_cast %reduce_sum3A_688 : vector<1xf32> to vector<1x1x1xf32>
    %reduce_sum3A_690 = vector.extract %reduce_sum3A_689[0, 0, 0] : f32 from vector<1x1x1xf32>
    %mul3A_691 = arith.constant 0.001953125 : f32
    %mul3A_692 = arith.mulf %reduce_sum3A_690, %mul3A_691 : f32
    %sub3A_693 = vector.broadcast %mul3A_692 : f32 to vector<1x256xf32>
    %sub3A_694 = arith.subf %mul3A_648, %sub3A_693 : vector<1x256xf32>
    %get3A_695 = arith.constant 6 : index
    %get3A_696 = arith.constant 0 : index
    %get3A_697 = vector.load %arg4[%get3A_695, %get3A_696] : memref<16x9xf32, #tpu.memory_space<vmem>>, vector<1x1xf32>
    %get3A_698 = vector.extract %get3A_697[0, 0] : f32 from vector<1x1xf32>
    %mul3A_699 = vector.broadcast %get3A_698 : f32 to vector<16x256xf32>
    %mul3A_700 = arith.mulf %mul3A_699, %sub3A_23 : vector<16x256xf32>
    %get3A_701 = arith.constant 6 : index
    %get3A_702 = arith.constant 1 : index
    %get3A_703 = vector.load %arg4[%get3A_701, %get3A_702] : memref<16x9xf32, #tpu.memory_space<vmem>>, vector<1x1xf32>
    %get3A_704 = vector.extract %get3A_703[0, 0] : f32 from vector<1x1xf32>
    %mul3A_705 = vector.broadcast %get3A_704 : f32 to vector<16x256xf32>
    %mul3A_706 = arith.mulf %mul3A_705, %sub3A_25 : vector<16x256xf32>
    %add3A_707 = arith.addf %mul3A_700, %mul3A_706 : vector<16x256xf32>
    %get3A_708 = arith.constant 6 : index
    %get3A_709 = arith.constant 2 : index
    %get3A_710 = vector.load %arg4[%get3A_708, %get3A_709] : memref<16x9xf32, #tpu.memory_space<vmem>>, vector<1x1xf32>
    %get3A_711 = vector.extract %get3A_710[0, 0] : f32 from vector<1x1xf32>
    %mul3A_712 = vector.broadcast %get3A_711 : f32 to vector<16x256xf32>
    %mul3A_713 = arith.mulf %mul3A_712, %sub3A_27 : vector<16x256xf32>
    %add3A_714 = arith.addf %add3A_707, %mul3A_713 : vector<16x256xf32>
    %get3A_715 = arith.constant 6 : index
    %get3A_716 = arith.constant 3 : index
    %get3A_717 = vector.load %arg4[%get3A_715, %get3A_716] : memref<16x9xf32, #tpu.memory_space<vmem>>, vector<1x1xf32>
    %get3A_718 = vector.extract %get3A_717[0, 0] : f32 from vector<1x1xf32>
    %mul3A_719 = vector.broadcast %get3A_718 : f32 to vector<16x256xf32>
    %mul3A_720 = arith.mulf %mul3A_719, %sub3A_23 : vector<16x256xf32>
    %get3A_721 = arith.constant 6 : index
    %get3A_722 = arith.constant 4 : index
    %get3A_723 = vector.load %arg4[%get3A_721, %get3A_722] : memref<16x9xf32, #tpu.memory_space<vmem>>, vector<1x1xf32>
    %get3A_724 = vector.extract %get3A_723[0, 0] : f32 from vector<1x1xf32>
    %mul3A_725 = vector.broadcast %get3A_724 : f32 to vector<16x256xf32>
    %mul3A_726 = arith.mulf %mul3A_725, %sub3A_25 : vector<16x256xf32>
    %add3A_727 = arith.addf %mul3A_720, %mul3A_726 : vector<16x256xf32>
    %get3A_728 = arith.constant 6 : index
    %get3A_729 = arith.constant 5 : index
    %get3A_730 = vector.load %arg4[%get3A_728, %get3A_729] : memref<16x9xf32, #tpu.memory_space<vmem>>, vector<1x1xf32>
    %get3A_731 = vector.extract %get3A_730[0, 0] : f32 from vector<1x1xf32>
    %mul3A_732 = vector.broadcast %get3A_731 : f32 to vector<16x256xf32>
    %mul3A_733 = arith.mulf %mul3A_732, %sub3A_27 : vector<16x256xf32>
    %add3A_734 = arith.addf %add3A_727, %mul3A_733 : vector<16x256xf32>
    %get3A_735 = arith.constant 6 : index
    %get3A_736 = arith.constant 6 : index
    %get3A_737 = vector.load %arg4[%get3A_735, %get3A_736] : memref<16x9xf32, #tpu.memory_space<vmem>>, vector<1x1xf32>
    %get3A_738 = vector.extract %get3A_737[0, 0] : f32 from vector<1x1xf32>
    %mul3A_739 = vector.broadcast %get3A_738 : f32 to vector<16x256xf32>
    %mul3A_740 = arith.mulf %mul3A_739, %sub3A_23 : vector<16x256xf32>
    %get3A_741 = arith.constant 6 : index
    %get3A_742 = arith.constant 7 : index
    %get3A_743 = vector.load %arg4[%get3A_741, %get3A_742] : memref<16x9xf32, #tpu.memory_space<vmem>>, vector<1x1xf32>
    %get3A_744 = vector.extract %get3A_743[0, 0] : f32 from vector<1x1xf32>
    %mul3A_745 = vector.broadcast %get3A_744 : f32 to vector<16x256xf32>
    %mul3A_746 = arith.mulf %mul3A_745, %sub3A_25 : vector<16x256xf32>
    %add3A_747 = arith.addf %mul3A_740, %mul3A_746 : vector<16x256xf32>
    %get3A_748 = arith.constant 6 : index
    %get3A_749 = arith.constant 8 : index
    %get3A_750 = vector.load %arg4[%get3A_748, %get3A_749] : memref<16x9xf32, #tpu.memory_space<vmem>>, vector<1x1xf32>
    %get3A_751 = vector.extract %get3A_750[0, 0] : f32 from vector<1x1xf32>
    %mul3A_752 = vector.broadcast %get3A_751 : f32 to vector<16x256xf32>
    %mul3A_753 = arith.mulf %mul3A_752, %sub3A_27 : vector<16x256xf32>
    %add3A_754 = arith.addf %add3A_747, %mul3A_753 : vector<16x256xf32>
    %mul3A_755 = arith.mulf %add3A_714, %add3A_714 : vector<16x256xf32>
    %mul3A_756 = arith.mulf %add3A_734, %add3A_734 : vector<16x256xf32>
    %add3A_757 = arith.addf %mul3A_755, %mul3A_756 : vector<16x256xf32>
    %get3A_758 = arith.constant 1 : index
    %get3A_759 = arith.constant 2 : index
    %get3A_760 = vector.load %arg5[%get3A_758, %get3A_759] : memref<8x16xf32, #tpu.memory_space<vmem>>, vector<1x1xf32>
    %get3A_761 = vector.extract %get3A_760[0, 0] : f32 from vector<1x1xf32>
    %abs3A_762 = math.absf %get3A_761 : f32
    %add3A_763 = arith.constant 2.000000e+00 : f32
    %add3A_764 = vector.broadcast %add3A_763 : f32 to vector<16x256xf32>
    %add3A_765 = arith.addf %add3A_754, %add3A_764 : vector<16x256xf32>
    %div3A_766 = arith.constant 4.000000e+00 : f32
    %div3A_767 = vector.broadcast %div3A_766 : f32 to vector<16x256xf32>
    %div3A_768 = arith.divf %add3A_765, %div3A_767 : vector<16x256xf32>
    %jit3A_769 = arith.constant 5.000000e-02 : f32
    %jit3A_770 = arith.constant 1.000000e+00 : f32
    %max3A_771 = vector.broadcast %jit3A_769 : f32 to vector<16x256xf32>
    %max3A_772 = arith.maximumf %max3A_771, %div3A_768 : vector<16x256xf32>
    %min3A_773 = vector.broadcast %jit3A_770 : f32 to vector<16x256xf32>
    %min3A_774 = arith.minimumf %min3A_773, %max3A_772 : vector<16x256xf32>
    %mul3A_775 = vector.broadcast %abs3A_762 : f32 to vector<16x256xf32>
    %mul3A_776 = arith.mulf %mul3A_775, %min3A_774 : vector<16x256xf32>
    %neg3A_777 = arith.constant 0.000000e+00 : f32
    %neg3A_778 = vector.broadcast %neg3A_777 : f32 to vector<16x256xf32>
    %neg3A_779 = arith.subf %neg3A_778, %add3A_757 : vector<16x256xf32>
    %mul3A_780 = arith.constant 2.000000e+00 : f32
    %mul3A_781 = vector.broadcast %mul3A_780 : f32 to vector<16x256xf32>
    %mul3A_782 = arith.mulf %mul3A_781, %mul3A_776 : vector<16x256xf32>
    %mul3A_783 = arith.mulf %mul3A_782, %mul3A_776 : vector<16x256xf32>
    %add3A_784 = arith.constant 9.99999997E-7 : f32
    %add3A_785 = vector.broadcast %add3A_784 : f32 to vector<16x256xf32>
    %add3A_786 = arith.addf %mul3A_783, %add3A_785 : vector<16x256xf32>
    %div3A_787 = arith.divf %neg3A_779, %add3A_786 : vector<16x256xf32>
    %exp3A_788 = math.exp %div3A_787 : vector<16x256xf32>
    %reduce_sum3A_789 = arith.constant dense<0.000000e+00> : vector<256xf32>
    %reduce_sum3A_790 = vector.multi_reduction <add>, %exp3A_788, %reduce_sum3A_789 [0] : vector<16x256xf32> to vector<256xf32>
    %broadcast_in_dim3A_791 = vector.shape_cast %reduce_sum3A_790 : vector<256xf32> to vector<1x256xf32>
    %mul3A_792 = arith.constant 6.250000e-02 : f32
    %mul3A_793 = vector.broadcast %mul3A_792 : f32 to vector<1x256xf32>
    %mul3A_794 = arith.mulf %broadcast_in_dim3A_791, %mul3A_793 : vector<1x256xf32>
    %slice3A_795 = vector.extract_strided_slice %get3A_32 {offsets = [6, 0], sizes = [1, 512], strides = [1, 1]} : vector<16x512xf32> to vector<1x512xf32>
    %slice3A_796 = vector.extract_strided_slice %get3A_37 {offsets = [6, 0], sizes = [1, 512], strides = [1, 1]} : vector<16x512xf32> to vector<1x512xf32>
    %slice3A_797 = vector.extract_strided_slice %get3A_42 {offsets = [6, 0], sizes = [1, 512], strides = [1, 1]} : vector<16x512xf32> to vector<1x512xf32>
    %mul3A_798 = arith.mulf %slice3A_795, %slice3A_795 : vector<1x512xf32>
    %mul3A_799 = arith.mulf %slice3A_796, %slice3A_796 : vector<1x512xf32>
    %add3A_800 = arith.addf %mul3A_798, %mul3A_799 : vector<1x512xf32>
    %get3A_801 = arith.constant 1 : index
    %get3A_802 = arith.constant 2 : index
    %get3A_803 = vector.load %arg5[%get3A_801, %get3A_802] : memref<8x16xf32, #tpu.memory_space<vmem>>, vector<1x1xf32>
    %get3A_804 = vector.extract %get3A_803[0, 0] : f32 from vector<1x1xf32>
    %abs3A_805 = math.absf %get3A_804 : f32
    %add3A_806 = arith.constant 2.000000e+00 : f32
    %add3A_807 = vector.broadcast %add3A_806 : f32 to vector<1x512xf32>
    %add3A_808 = arith.addf %slice3A_797, %add3A_807 : vector<1x512xf32>
    %div3A_809 = arith.constant 4.000000e+00 : f32
    %div3A_810 = vector.broadcast %div3A_809 : f32 to vector<1x512xf32>
    %div3A_811 = arith.divf %add3A_808, %div3A_810 : vector<1x512xf32>
    %jit3A_812 = arith.constant 5.000000e-02 : f32
    %jit3A_813 = arith.constant 1.000000e+00 : f32
    %max3A_814 = vector.broadcast %jit3A_812 : f32 to vector<1x512xf32>
    %max3A_815 = arith.maximumf %max3A_814, %div3A_811 : vector<1x512xf32>
    %min3A_816 = vector.broadcast %jit3A_813 : f32 to vector<1x512xf32>
    %min3A_817 = arith.minimumf %min3A_816, %max3A_815 : vector<1x512xf32>
    %mul3A_818 = vector.broadcast %abs3A_805 : f32 to vector<1x512xf32>
    %mul3A_819 = arith.mulf %mul3A_818, %min3A_817 : vector<1x512xf32>
    %neg3A_820 = arith.constant 0.000000e+00 : f32
    %neg3A_821 = vector.broadcast %neg3A_820 : f32 to vector<1x512xf32>
    %neg3A_822 = arith.subf %neg3A_821, %add3A_800 : vector<1x512xf32>
    %mul3A_823 = arith.constant 2.000000e+00 : f32
    %mul3A_824 = vector.broadcast %mul3A_823 : f32 to vector<1x512xf32>
    %mul3A_825 = arith.mulf %mul3A_824, %mul3A_819 : vector<1x512xf32>
    %mul3A_826 = arith.mulf %mul3A_825, %mul3A_819 : vector<1x512xf32>
    %add3A_827 = arith.constant 9.99999997E-7 : f32
    %add3A_828 = vector.broadcast %add3A_827 : f32 to vector<1x512xf32>
    %add3A_829 = arith.addf %mul3A_826, %add3A_828 : vector<1x512xf32>
    %div3A_830 = arith.divf %neg3A_822, %add3A_829 : vector<1x512xf32>
    %exp3A_831 = math.exp %div3A_830 : vector<1x512xf32>
    %reduce_sum3A_832 = vector.shape_cast %exp3A_831 : vector<1x512xf32> to vector<1x1x512xf32>
    %reduce_sum3A_833 = arith.constant dense<0.000000e+00> : vector<1xf32>
    %reduce_sum3A_834 = vector.multi_reduction <add>, %reduce_sum3A_832, %reduce_sum3A_833 [1, 2] : vector<1x1x512xf32> to vector<1xf32>
    %reduce_sum3A_835 = vector.shape_cast %reduce_sum3A_834 : vector<1xf32> to vector<1x1x1xf32>
    %reduce_sum3A_836 = vector.extract %reduce_sum3A_835[0, 0, 0] : f32 from vector<1x1x1xf32>
    %mul3A_837 = arith.constant 0.001953125 : f32
    %mul3A_838 = arith.mulf %reduce_sum3A_836, %mul3A_837 : f32
    %sub3A_839 = vector.broadcast %mul3A_838 : f32 to vector<1x256xf32>
    %sub3A_840 = arith.subf %mul3A_794, %sub3A_839 : vector<1x256xf32>
    %get3A_841 = arith.constant 7 : index
    %get3A_842 = arith.constant 0 : index
    %get3A_843 = vector.load %arg4[%get3A_841, %get3A_842] : memref<16x9xf32, #tpu.memory_space<vmem>>, vector<1x1xf32>
    %get3A_844 = vector.extract %get3A_843[0, 0] : f32 from vector<1x1xf32>
    %mul3A_845 = vector.broadcast %get3A_844 : f32 to vector<16x256xf32>
    %mul3A_846 = arith.mulf %mul3A_845, %sub3A_23 : vector<16x256xf32>
    %get3A_847 = arith.constant 7 : index
    %get3A_848 = arith.constant 1 : index
    %get3A_849 = vector.load %arg4[%get3A_847, %get3A_848] : memref<16x9xf32, #tpu.memory_space<vmem>>, vector<1x1xf32>
    %get3A_850 = vector.extract %get3A_849[0, 0] : f32 from vector<1x1xf32>
    %mul3A_851 = vector.broadcast %get3A_850 : f32 to vector<16x256xf32>
    %mul3A_852 = arith.mulf %mul3A_851, %sub3A_25 : vector<16x256xf32>
    %add3A_853 = arith.addf %mul3A_846, %mul3A_852 : vector<16x256xf32>
    %get3A_854 = arith.constant 7 : index
    %get3A_855 = arith.constant 2 : index
    %get3A_856 = vector.load %arg4[%get3A_854, %get3A_855] : memref<16x9xf32, #tpu.memory_space<vmem>>, vector<1x1xf32>
    %get3A_857 = vector.extract %get3A_856[0, 0] : f32 from vector<1x1xf32>
    %mul3A_858 = vector.broadcast %get3A_857 : f32 to vector<16x256xf32>
    %mul3A_859 = arith.mulf %mul3A_858, %sub3A_27 : vector<16x256xf32>
    %add3A_860 = arith.addf %add3A_853, %mul3A_859 : vector<16x256xf32>
    %get3A_861 = arith.constant 7 : index
    %get3A_862 = arith.constant 3 : index
    %get3A_863 = vector.load %arg4[%get3A_861, %get3A_862] : memref<16x9xf32, #tpu.memory_space<vmem>>, vector<1x1xf32>
    %get3A_864 = vector.extract %get3A_863[0, 0] : f32 from vector<1x1xf32>
    %mul3A_865 = vector.broadcast %get3A_864 : f32 to vector<16x256xf32>
    %mul3A_866 = arith.mulf %mul3A_865, %sub3A_23 : vector<16x256xf32>
    %get3A_867 = arith.constant 7 : index
    %get3A_868 = arith.constant 4 : index
    %get3A_869 = vector.load %arg4[%get3A_867, %get3A_868] : memref<16x9xf32, #tpu.memory_space<vmem>>, vector<1x1xf32>
    %get3A_870 = vector.extract %get3A_869[0, 0] : f32 from vector<1x1xf32>
    %mul3A_871 = vector.broadcast %get3A_870 : f32 to vector<16x256xf32>
    %mul3A_872 = arith.mulf %mul3A_871, %sub3A_25 : vector<16x256xf32>
    %add3A_873 = arith.addf %mul3A_866, %mul3A_872 : vector<16x256xf32>
    %get3A_874 = arith.constant 7 : index
    %get3A_875 = arith.constant 5 : index
    %get3A_876 = vector.load %arg4[%get3A_874, %get3A_875] : memref<16x9xf32, #tpu.memory_space<vmem>>, vector<1x1xf32>
    %get3A_877 = vector.extract %get3A_876[0, 0] : f32 from vector<1x1xf32>
    %mul3A_878 = vector.broadcast %get3A_877 : f32 to vector<16x256xf32>
    %mul3A_879 = arith.mulf %mul3A_878, %sub3A_27 : vector<16x256xf32>
    %add3A_880 = arith.addf %add3A_873, %mul3A_879 : vector<16x256xf32>
    %get3A_881 = arith.constant 7 : index
    %get3A_882 = arith.constant 6 : index
    %get3A_883 = vector.load %arg4[%get3A_881, %get3A_882] : memref<16x9xf32, #tpu.memory_space<vmem>>, vector<1x1xf32>
    %get3A_884 = vector.extract %get3A_883[0, 0] : f32 from vector<1x1xf32>
    %mul3A_885 = vector.broadcast %get3A_884 : f32 to vector<16x256xf32>
    %mul3A_886 = arith.mulf %mul3A_885, %sub3A_23 : vector<16x256xf32>
    %get3A_887 = arith.constant 7 : index
    %get3A_888 = arith.constant 7 : index
    %get3A_889 = vector.load %arg4[%get3A_887, %get3A_888] : memref<16x9xf32, #tpu.memory_space<vmem>>, vector<1x1xf32>
    %get3A_890 = vector.extract %get3A_889[0, 0] : f32 from vector<1x1xf32>
    %mul3A_891 = vector.broadcast %get3A_890 : f32 to vector<16x256xf32>
    %mul3A_892 = arith.mulf %mul3A_891, %sub3A_25 : vector<16x256xf32>
    %add3A_893 = arith.addf %mul3A_886, %mul3A_892 : vector<16x256xf32>
    %get3A_894 = arith.constant 7 : index
    %get3A_895 = arith.constant 8 : index
    %get3A_896 = vector.load %arg4[%get3A_894, %get3A_895] : memref<16x9xf32, #tpu.memory_space<vmem>>, vector<1x1xf32>
    %get3A_897 = vector.extract %get3A_896[0, 0] : f32 from vector<1x1xf32>
    %mul3A_898 = vector.broadcast %get3A_897 : f32 to vector<16x256xf32>
    %mul3A_899 = arith.mulf %mul3A_898, %sub3A_27 : vector<16x256xf32>
    %add3A_900 = arith.addf %add3A_893, %mul3A_899 : vector<16x256xf32>
    %mul3A_901 = arith.mulf %add3A_860, %add3A_860 : vector<16x256xf32>
    %mul3A_902 = arith.mulf %add3A_880, %add3A_880 : vector<16x256xf32>
    %add3A_903 = arith.addf %mul3A_901, %mul3A_902 : vector<16x256xf32>
    %get3A_904 = arith.constant 1 : index
    %get3A_905 = arith.constant 3 : index
    %get3A_906 = vector.load %arg5[%get3A_904, %get3A_905] : memref<8x16xf32, #tpu.memory_space<vmem>>, vector<1x1xf32>
    %get3A_907 = vector.extract %get3A_906[0, 0] : f32 from vector<1x1xf32>
    %abs3A_908 = math.absf %get3A_907 : f32
    %add3A_909 = arith.constant 2.000000e+00 : f32
    %add3A_910 = vector.broadcast %add3A_909 : f32 to vector<16x256xf32>
    %add3A_911 = arith.addf %add3A_900, %add3A_910 : vector<16x256xf32>
    %div3A_912 = arith.constant 4.000000e+00 : f32
    %div3A_913 = vector.broadcast %div3A_912 : f32 to vector<16x256xf32>
    %div3A_914 = arith.divf %add3A_911, %div3A_913 : vector<16x256xf32>
    %jit3A_915 = arith.constant 5.000000e-02 : f32
    %jit3A_916 = arith.constant 1.000000e+00 : f32
    %max3A_917 = vector.broadcast %jit3A_915 : f32 to vector<16x256xf32>
    %max3A_918 = arith.maximumf %max3A_917, %div3A_914 : vector<16x256xf32>
    %min3A_919 = vector.broadcast %jit3A_916 : f32 to vector<16x256xf32>
    %min3A_920 = arith.minimumf %min3A_919, %max3A_918 : vector<16x256xf32>
    %mul3A_921 = vector.broadcast %abs3A_908 : f32 to vector<16x256xf32>
    %mul3A_922 = arith.mulf %mul3A_921, %min3A_920 : vector<16x256xf32>
    %neg3A_923 = arith.constant 0.000000e+00 : f32
    %neg3A_924 = vector.broadcast %neg3A_923 : f32 to vector<16x256xf32>
    %neg3A_925 = arith.subf %neg3A_924, %add3A_903 : vector<16x256xf32>
    %mul3A_926 = arith.constant 2.000000e+00 : f32
    %mul3A_927 = vector.broadcast %mul3A_926 : f32 to vector<16x256xf32>
    %mul3A_928 = arith.mulf %mul3A_927, %mul3A_922 : vector<16x256xf32>
    %mul3A_929 = arith.mulf %mul3A_928, %mul3A_922 : vector<16x256xf32>
    %add3A_930 = arith.constant 9.99999997E-7 : f32
    %add3A_931 = vector.broadcast %add3A_930 : f32 to vector<16x256xf32>
    %add3A_932 = arith.addf %mul3A_929, %add3A_931 : vector<16x256xf32>
    %div3A_933 = arith.divf %neg3A_925, %add3A_932 : vector<16x256xf32>
    %exp3A_934 = math.exp %div3A_933 : vector<16x256xf32>
    %reduce_sum3A_935 = arith.constant dense<0.000000e+00> : vector<256xf32>
    %reduce_sum3A_936 = vector.multi_reduction <add>, %exp3A_934, %reduce_sum3A_935 [0] : vector<16x256xf32> to vector<256xf32>
    %broadcast_in_dim3A_937 = vector.shape_cast %reduce_sum3A_936 : vector<256xf32> to vector<1x256xf32>
    %mul3A_938 = arith.constant 6.250000e-02 : f32
    %mul3A_939 = vector.broadcast %mul3A_938 : f32 to vector<1x256xf32>
    %mul3A_940 = arith.mulf %broadcast_in_dim3A_937, %mul3A_939 : vector<1x256xf32>
    %slice3A_941 = vector.extract_strided_slice %get3A_32 {offsets = [7, 0], sizes = [1, 512], strides = [1, 1]} : vector<16x512xf32> to vector<1x512xf32>
    %slice3A_942 = vector.extract_strided_slice %get3A_37 {offsets = [7, 0], sizes = [1, 512], strides = [1, 1]} : vector<16x512xf32> to vector<1x512xf32>
    %slice3A_943 = vector.extract_strided_slice %get3A_42 {offsets = [7, 0], sizes = [1, 512], strides = [1, 1]} : vector<16x512xf32> to vector<1x512xf32>
    %mul3A_944 = arith.mulf %slice3A_941, %slice3A_941 : vector<1x512xf32>
    %mul3A_945 = arith.mulf %slice3A_942, %slice3A_942 : vector<1x512xf32>
    %add3A_946 = arith.addf %mul3A_944, %mul3A_945 : vector<1x512xf32>
    %get3A_947 = arith.constant 1 : index
    %get3A_948 = arith.constant 3 : index
    %get3A_949 = vector.load %arg5[%get3A_947, %get3A_948] : memref<8x16xf32, #tpu.memory_space<vmem>>, vector<1x1xf32>
    %get3A_950 = vector.extract %get3A_949[0, 0] : f32 from vector<1x1xf32>
    %abs3A_951 = math.absf %get3A_950 : f32
    %add3A_952 = arith.constant 2.000000e+00 : f32
    %add3A_953 = vector.broadcast %add3A_952 : f32 to vector<1x512xf32>
    %add3A_954 = arith.addf %slice3A_943, %add3A_953 : vector<1x512xf32>
    %div3A_955 = arith.constant 4.000000e+00 : f32
    %div3A_956 = vector.broadcast %div3A_955 : f32 to vector<1x512xf32>
    %div3A_957 = arith.divf %add3A_954, %div3A_956 : vector<1x512xf32>
    %jit3A_958 = arith.constant 5.000000e-02 : f32
    %jit3A_959 = arith.constant 1.000000e+00 : f32
    %max3A_960 = vector.broadcast %jit3A_958 : f32 to vector<1x512xf32>
    %max3A_961 = arith.maximumf %max3A_960, %div3A_957 : vector<1x512xf32>
    %min3A_962 = vector.broadcast %jit3A_959 : f32 to vector<1x512xf32>
    %min3A_963 = arith.minimumf %min3A_962, %max3A_961 : vector<1x512xf32>
    %mul3A_964 = vector.broadcast %abs3A_951 : f32 to vector<1x512xf32>
    %mul3A_965 = arith.mulf %mul3A_964, %min3A_963 : vector<1x512xf32>
    %neg3A_966 = arith.constant 0.000000e+00 : f32
    %neg3A_967 = vector.broadcast %neg3A_966 : f32 to vector<1x512xf32>
    %neg3A_968 = arith.subf %neg3A_967, %add3A_946 : vector<1x512xf32>
    %mul3A_969 = arith.constant 2.000000e+00 : f32
    %mul3A_970 = vector.broadcast %mul3A_969 : f32 to vector<1x512xf32>
    %mul3A_971 = arith.mulf %mul3A_970, %mul3A_965 : vector<1x512xf32>
    %mul3A_972 = arith.mulf %mul3A_971, %mul3A_965 : vector<1x512xf32>
    %add3A_973 = arith.constant 9.99999997E-7 : f32
    %add3A_974 = vector.broadcast %add3A_973 : f32 to vector<1x512xf32>
    %add3A_975 = arith.addf %mul3A_972, %add3A_974 : vector<1x512xf32>
    %div3A_976 = arith.divf %neg3A_968, %add3A_975 : vector<1x512xf32>
    %exp3A_977 = math.exp %div3A_976 : vector<1x512xf32>
    %reduce_sum3A_978 = vector.shape_cast %exp3A_977 : vector<1x512xf32> to vector<1x1x512xf32>
    %reduce_sum3A_979 = arith.constant dense<0.000000e+00> : vector<1xf32>
    %reduce_sum3A_980 = vector.multi_reduction <add>, %reduce_sum3A_978, %reduce_sum3A_979 [1, 2] : vector<1x1x512xf32> to vector<1xf32>
    %reduce_sum3A_981 = vector.shape_cast %reduce_sum3A_980 : vector<1xf32> to vector<1x1x1xf32>
    %reduce_sum3A_982 = vector.extract %reduce_sum3A_981[0, 0, 0] : f32 from vector<1x1x1xf32>
    %mul3A_983 = arith.constant 0.001953125 : f32
    %mul3A_984 = arith.mulf %reduce_sum3A_982, %mul3A_983 : f32
    %sub3A_985 = vector.broadcast %mul3A_984 : f32 to vector<1x256xf32>
    %sub3A_986 = arith.subf %mul3A_940, %sub3A_985 : vector<1x256xf32>
    %get3A_987 = arith.constant 8 : index
    %get3A_988 = arith.constant 0 : index
    %get3A_989 = vector.load %arg4[%get3A_987, %get3A_988] : memref<16x9xf32, #tpu.memory_space<vmem>>, vector<1x1xf32>
    %get3A_990 = vector.extract %get3A_989[0, 0] : f32 from vector<1x1xf32>
    %mul3A_991 = vector.broadcast %get3A_990 : f32 to vector<16x256xf32>
    %mul3A_992 = arith.mulf %mul3A_991, %sub3A_23 : vector<16x256xf32>
    %get3A_993 = arith.constant 8 : index
    %get3A_994 = arith.constant 1 : index
    %get3A_995 = vector.load %arg4[%get3A_993, %get3A_994] : memref<16x9xf32, #tpu.memory_space<vmem>>, vector<1x1xf32>
    %get3A_996 = vector.extract %get3A_995[0, 0] : f32 from vector<1x1xf32>
    %mul3A_997 = vector.broadcast %get3A_996 : f32 to vector<16x256xf32>
    %mul3A_998 = arith.mulf %mul3A_997, %sub3A_25 : vector<16x256xf32>
    %add3A_999 = arith.addf %mul3A_992, %mul3A_998 : vector<16x256xf32>
    %get3A_1000 = arith.constant 8 : index
    %get3A_1001 = arith.constant 2 : index
    %get3A_1002 = vector.load %arg4[%get3A_1000, %get3A_1001] : memref<16x9xf32, #tpu.memory_space<vmem>>, vector<1x1xf32>
    %get3A_1003 = vector.extract %get3A_1002[0, 0] : f32 from vector<1x1xf32>
    %mul3A_1004 = vector.broadcast %get3A_1003 : f32 to vector<16x256xf32>
    %mul3A_1005 = arith.mulf %mul3A_1004, %sub3A_27 : vector<16x256xf32>
    %add3A_1006 = arith.addf %add3A_999, %mul3A_1005 : vector<16x256xf32>
    %get3A_1007 = arith.constant 8 : index
    %get3A_1008 = arith.constant 3 : index
    %get3A_1009 = vector.load %arg4[%get3A_1007, %get3A_1008] : memref<16x9xf32, #tpu.memory_space<vmem>>, vector<1x1xf32>
    %get3A_1010 = vector.extract %get3A_1009[0, 0] : f32 from vector<1x1xf32>
    %mul3A_1011 = vector.broadcast %get3A_1010 : f32 to vector<16x256xf32>
    %mul3A_1012 = arith.mulf %mul3A_1011, %sub3A_23 : vector<16x256xf32>
    %get3A_1013 = arith.constant 8 : index
    %get3A_1014 = arith.constant 4 : index
    %get3A_1015 = vector.load %arg4[%get3A_1013, %get3A_1014] : memref<16x9xf32, #tpu.memory_space<vmem>>, vector<1x1xf32>
    %get3A_1016 = vector.extract %get3A_1015[0, 0] : f32 from vector<1x1xf32>
    %mul3A_1017 = vector.broadcast %get3A_1016 : f32 to vector<16x256xf32>
    %mul3A_1018 = arith.mulf %mul3A_1017, %sub3A_25 : vector<16x256xf32>
    %add3A_1019 = arith.addf %mul3A_1012, %mul3A_1018 : vector<16x256xf32>
    %get3A_1020 = arith.constant 8 : index
    %get3A_1021 = arith.constant 5 : index
    %get3A_1022 = vector.load %arg4[%get3A_1020, %get3A_1021] : memref<16x9xf32, #tpu.memory_space<vmem>>, vector<1x1xf32>
    %get3A_1023 = vector.extract %get3A_1022[0, 0] : f32 from vector<1x1xf32>
    %mul3A_1024 = vector.broadcast %get3A_1023 : f32 to vector<16x256xf32>
    %mul3A_1025 = arith.mulf %mul3A_1024, %sub3A_27 : vector<16x256xf32>
    %add3A_1026 = arith.addf %add3A_1019, %mul3A_1025 : vector<16x256xf32>
    %get3A_1027 = arith.constant 8 : index
    %get3A_1028 = arith.constant 6 : index
    %get3A_1029 = vector.load %arg4[%get3A_1027, %get3A_1028] : memref<16x9xf32, #tpu.memory_space<vmem>>, vector<1x1xf32>
    %get3A_1030 = vector.extract %get3A_1029[0, 0] : f32 from vector<1x1xf32>
    %mul3A_1031 = vector.broadcast %get3A_1030 : f32 to vector<16x256xf32>
    %mul3A_1032 = arith.mulf %mul3A_1031, %sub3A_23 : vector<16x256xf32>
    %get3A_1033 = arith.constant 8 : index
    %get3A_1034 = arith.constant 7 : index
    %get3A_1035 = vector.load %arg4[%get3A_1033, %get3A_1034] : memref<16x9xf32, #tpu.memory_space<vmem>>, vector<1x1xf32>
    %get3A_1036 = vector.extract %get3A_1035[0, 0] : f32 from vector<1x1xf32>
    %mul3A_1037 = vector.broadcast %get3A_1036 : f32 to vector<16x256xf32>
    %mul3A_1038 = arith.mulf %mul3A_1037, %sub3A_25 : vector<16x256xf32>
    %add3A_1039 = arith.addf %mul3A_1032, %mul3A_1038 : vector<16x256xf32>
    %get3A_1040 = arith.constant 8 : index
    %get3A_1041 = arith.constant 8 : index
    %get3A_1042 = vector.load %arg4[%get3A_1040, %get3A_1041] : memref<16x9xf32, #tpu.memory_space<vmem>>, vector<1x1xf32>
    %get3A_1043 = vector.extract %get3A_1042[0, 0] : f32 from vector<1x1xf32>
    %mul3A_1044 = vector.broadcast %get3A_1043 : f32 to vector<16x256xf32>
    %mul3A_1045 = arith.mulf %mul3A_1044, %sub3A_27 : vector<16x256xf32>
    %add3A_1046 = arith.addf %add3A_1039, %mul3A_1045 : vector<16x256xf32>
    %mul3A_1047 = arith.mulf %add3A_1006, %add3A_1006 : vector<16x256xf32>
    %mul3A_1048 = arith.mulf %add3A_1026, %add3A_1026 : vector<16x256xf32>
    %add3A_1049 = arith.addf %mul3A_1047, %mul3A_1048 : vector<16x256xf32>
    %get3A_1050 = arith.constant 2 : index
    %get3A_1051 = arith.constant 0 : index
    %get3A_1052 = vector.load %arg5[%get3A_1050, %get3A_1051] : memref<8x16xf32, #tpu.memory_space<vmem>>, vector<1x1xf32>
    %get3A_1053 = vector.extract %get3A_1052[0, 0] : f32 from vector<1x1xf32>
    %get3A_1054 = arith.constant 3 : index
    %get3A_1055 = arith.constant 0 : index
    %get3A_1056 = vector.load %arg5[%get3A_1054, %get3A_1055] : memref<8x16xf32, #tpu.memory_space<vmem>>, vector<1x1xf32>
    %get3A_1057 = vector.extract %get3A_1056[0, 0] : f32 from vector<1x1xf32>
    %neg3A_1058 = arith.constant 0.000000e+00 : f32
    %neg3A_1059 = vector.broadcast %neg3A_1058 : f32 to vector<16x256xf32>
    %neg3A_1060 = arith.subf %neg3A_1059, %add3A_1049 : vector<16x256xf32>
    %mul3A_1061 = arith.constant 2.000000e+00 : f32
    %mul3A_1062 = arith.mulf %mul3A_1061, %get3A_1053 : f32
    %mul3A_1063 = arith.mulf %mul3A_1062, %get3A_1053 : f32
    %add3A_1064 = arith.constant 9.99999997E-7 : f32
    %add3A_1065 = arith.addf %mul3A_1063, %add3A_1064 : f32
    %div3A_1066 = vector.broadcast %add3A_1065 : f32 to vector<16x256xf32>
    %div3A_1067 = arith.divf %neg3A_1060, %div3A_1066 : vector<16x256xf32>
    %exp3A_1068 = math.exp %div3A_1067 : vector<16x256xf32>
    %neg3A_1069 = arith.constant 0.000000e+00 : f32
    %neg3A_1070 = vector.broadcast %neg3A_1069 : f32 to vector<16x256xf32>
    %neg3A_1071 = arith.subf %neg3A_1070, %add3A_1046 : vector<16x256xf32>
    %mul3A_1072 = arith.mulf %neg3A_1071, %add3A_1046 : vector<16x256xf32>
    %mul3A_1073 = arith.constant 2.000000e+00 : f32
    %mul3A_1074 = arith.mulf %mul3A_1073, %get3A_1057 : f32
    %mul3A_1075 = arith.mulf %mul3A_1074, %get3A_1057 : f32
    %add3A_1076 = arith.constant 9.99999997E-7 : f32
    %add3A_1077 = arith.addf %mul3A_1075, %add3A_1076 : f32
    %div3A_1078 = vector.broadcast %add3A_1077 : f32 to vector<16x256xf32>
    %div3A_1079 = arith.divf %mul3A_1072, %div3A_1078 : vector<16x256xf32>
    %exp3A_1080 = math.exp %div3A_1079 : vector<16x256xf32>
    %mul3A_1081 = arith.mulf %exp3A_1068, %exp3A_1080 : vector<16x256xf32>
    %reduce_sum3A_1082 = arith.constant dense<0.000000e+00> : vector<256xf32>
    %reduce_sum3A_1083 = vector.multi_reduction <add>, %mul3A_1081, %reduce_sum3A_1082 [0] : vector<16x256xf32> to vector<256xf32>
    %broadcast_in_dim3A_1084 = vector.shape_cast %reduce_sum3A_1083 : vector<256xf32> to vector<1x256xf32>
    %mul3A_1085 = arith.constant 6.250000e-02 : f32
    %mul3A_1086 = vector.broadcast %mul3A_1085 : f32 to vector<1x256xf32>
    %mul3A_1087 = arith.mulf %broadcast_in_dim3A_1084, %mul3A_1086 : vector<1x256xf32>
    %slice3A_1088 = vector.extract_strided_slice %get3A_32 {offsets = [8, 0], sizes = [1, 512], strides = [1, 1]} : vector<16x512xf32> to vector<1x512xf32>
    %slice3A_1089 = vector.extract_strided_slice %get3A_37 {offsets = [8, 0], sizes = [1, 512], strides = [1, 1]} : vector<16x512xf32> to vector<1x512xf32>
    %slice3A_1090 = vector.extract_strided_slice %get3A_42 {offsets = [8, 0], sizes = [1, 512], strides = [1, 1]} : vector<16x512xf32> to vector<1x512xf32>
    %mul3A_1091 = arith.mulf %slice3A_1088, %slice3A_1088 : vector<1x512xf32>
    %mul3A_1092 = arith.mulf %slice3A_1089, %slice3A_1089 : vector<1x512xf32>
    %add3A_1093 = arith.addf %mul3A_1091, %mul3A_1092 : vector<1x512xf32>
    %get3A_1094 = arith.constant 2 : index
    %get3A_1095 = arith.constant 0 : index
    %get3A_1096 = vector.load %arg5[%get3A_1094, %get3A_1095] : memref<8x16xf32, #tpu.memory_space<vmem>>, vector<1x1xf32>
    %get3A_1097 = vector.extract %get3A_1096[0, 0] : f32 from vector<1x1xf32>
    %get3A_1098 = arith.constant 3 : index
    %get3A_1099 = arith.constant 0 : index
    %get3A_1100 = vector.load %arg5[%get3A_1098, %get3A_1099] : memref<8x16xf32, #tpu.memory_space<vmem>>, vector<1x1xf32>
    %get3A_1101 = vector.extract %get3A_1100[0, 0] : f32 from vector<1x1xf32>
    %neg3A_1102 = arith.constant 0.000000e+00 : f32
    %neg3A_1103 = vector.broadcast %neg3A_1102 : f32 to vector<1x512xf32>
    %neg3A_1104 = arith.subf %neg3A_1103, %add3A_1093 : vector<1x512xf32>
    %mul3A_1105 = arith.constant 2.000000e+00 : f32
    %mul3A_1106 = arith.mulf %mul3A_1105, %get3A_1097 : f32
    %mul3A_1107 = arith.mulf %mul3A_1106, %get3A_1097 : f32
    %add3A_1108 = arith.constant 9.99999997E-7 : f32
    %add3A_1109 = arith.addf %mul3A_1107, %add3A_1108 : f32
    %div3A_1110 = vector.broadcast %add3A_1109 : f32 to vector<1x512xf32>
    %div3A_1111 = arith.divf %neg3A_1104, %div3A_1110 : vector<1x512xf32>
    %exp3A_1112 = math.exp %div3A_1111 : vector<1x512xf32>
    %neg3A_1113 = arith.constant 0.000000e+00 : f32
    %neg3A_1114 = vector.broadcast %neg3A_1113 : f32 to vector<1x512xf32>
    %neg3A_1115 = arith.subf %neg3A_1114, %slice3A_1090 : vector<1x512xf32>
    %mul3A_1116 = arith.mulf %neg3A_1115, %slice3A_1090 : vector<1x512xf32>
    %mul3A_1117 = arith.constant 2.000000e+00 : f32
    %mul3A_1118 = arith.mulf %mul3A_1117, %get3A_1101 : f32
    %mul3A_1119 = arith.mulf %mul3A_1118, %get3A_1101 : f32
    %add3A_1120 = arith.constant 9.99999997E-7 : f32
    %add3A_1121 = arith.addf %mul3A_1119, %add3A_1120 : f32
    %div3A_1122 = vector.broadcast %add3A_1121 : f32 to vector<1x512xf32>
    %div3A_1123 = arith.divf %mul3A_1116, %div3A_1122 : vector<1x512xf32>
    %exp3A_1124 = math.exp %div3A_1123 : vector<1x512xf32>
    %mul3A_1125 = arith.mulf %exp3A_1112, %exp3A_1124 : vector<1x512xf32>
    %reduce_sum3A_1126 = vector.shape_cast %mul3A_1125 : vector<1x512xf32> to vector<1x1x512xf32>
    %reduce_sum3A_1127 = arith.constant dense<0.000000e+00> : vector<1xf32>
    %reduce_sum3A_1128 = vector.multi_reduction <add>, %reduce_sum3A_1126, %reduce_sum3A_1127 [1, 2] : vector<1x1x512xf32> to vector<1xf32>
    %reduce_sum3A_1129 = vector.shape_cast %reduce_sum3A_1128 : vector<1xf32> to vector<1x1x1xf32>
    %reduce_sum3A_1130 = vector.extract %reduce_sum3A_1129[0, 0, 0] : f32 from vector<1x1x1xf32>
    %mul3A_1131 = arith.constant 0.001953125 : f32
    %mul3A_1132 = arith.mulf %reduce_sum3A_1130, %mul3A_1131 : f32
    %sub3A_1133 = vector.broadcast %mul3A_1132 : f32 to vector<1x256xf32>
    %sub3A_1134 = arith.subf %mul3A_1087, %sub3A_1133 : vector<1x256xf32>
    %get3A_1135 = arith.constant 9 : index
    %get3A_1136 = arith.constant 0 : index
    %get3A_1137 = vector.load %arg4[%get3A_1135, %get3A_1136] : memref<16x9xf32, #tpu.memory_space<vmem>>, vector<1x1xf32>
    %get3A_1138 = vector.extract %get3A_1137[0, 0] : f32 from vector<1x1xf32>
    %mul3A_1139 = vector.broadcast %get3A_1138 : f32 to vector<16x256xf32>
    %mul3A_1140 = arith.mulf %mul3A_1139, %sub3A_23 : vector<16x256xf32>
    %get3A_1141 = arith.constant 9 : index
    %get3A_1142 = arith.constant 1 : index
    %get3A_1143 = vector.load %arg4[%get3A_1141, %get3A_1142] : memref<16x9xf32, #tpu.memory_space<vmem>>, vector<1x1xf32>
    %get3A_1144 = vector.extract %get3A_1143[0, 0] : f32 from vector<1x1xf32>
    %mul3A_1145 = vector.broadcast %get3A_1144 : f32 to vector<16x256xf32>
    %mul3A_1146 = arith.mulf %mul3A_1145, %sub3A_25 : vector<16x256xf32>
    %add3A_1147 = arith.addf %mul3A_1140, %mul3A_1146 : vector<16x256xf32>
    %get3A_1148 = arith.constant 9 : index
    %get3A_1149 = arith.constant 2 : index
    %get3A_1150 = vector.load %arg4[%get3A_1148, %get3A_1149] : memref<16x9xf32, #tpu.memory_space<vmem>>, vector<1x1xf32>
    %get3A_1151 = vector.extract %get3A_1150[0, 0] : f32 from vector<1x1xf32>
    %mul3A_1152 = vector.broadcast %get3A_1151 : f32 to vector<16x256xf32>
    %mul3A_1153 = arith.mulf %mul3A_1152, %sub3A_27 : vector<16x256xf32>
    %add3A_1154 = arith.addf %add3A_1147, %mul3A_1153 : vector<16x256xf32>
    %get3A_1155 = arith.constant 9 : index
    %get3A_1156 = arith.constant 3 : index
    %get3A_1157 = vector.load %arg4[%get3A_1155, %get3A_1156] : memref<16x9xf32, #tpu.memory_space<vmem>>, vector<1x1xf32>
    %get3A_1158 = vector.extract %get3A_1157[0, 0] : f32 from vector<1x1xf32>
    %mul3A_1159 = vector.broadcast %get3A_1158 : f32 to vector<16x256xf32>
    %mul3A_1160 = arith.mulf %mul3A_1159, %sub3A_23 : vector<16x256xf32>
    %get3A_1161 = arith.constant 9 : index
    %get3A_1162 = arith.constant 4 : index
    %get3A_1163 = vector.load %arg4[%get3A_1161, %get3A_1162] : memref<16x9xf32, #tpu.memory_space<vmem>>, vector<1x1xf32>
    %get3A_1164 = vector.extract %get3A_1163[0, 0] : f32 from vector<1x1xf32>
    %mul3A_1165 = vector.broadcast %get3A_1164 : f32 to vector<16x256xf32>
    %mul3A_1166 = arith.mulf %mul3A_1165, %sub3A_25 : vector<16x256xf32>
    %add3A_1167 = arith.addf %mul3A_1160, %mul3A_1166 : vector<16x256xf32>
    %get3A_1168 = arith.constant 9 : index
    %get3A_1169 = arith.constant 5 : index
    %get3A_1170 = vector.load %arg4[%get3A_1168, %get3A_1169] : memref<16x9xf32, #tpu.memory_space<vmem>>, vector<1x1xf32>
    %get3A_1171 = vector.extract %get3A_1170[0, 0] : f32 from vector<1x1xf32>
    %mul3A_1172 = vector.broadcast %get3A_1171 : f32 to vector<16x256xf32>
    %mul3A_1173 = arith.mulf %mul3A_1172, %sub3A_27 : vector<16x256xf32>
    %add3A_1174 = arith.addf %add3A_1167, %mul3A_1173 : vector<16x256xf32>
    %get3A_1175 = arith.constant 9 : index
    %get3A_1176 = arith.constant 6 : index
    %get3A_1177 = vector.load %arg4[%get3A_1175, %get3A_1176] : memref<16x9xf32, #tpu.memory_space<vmem>>, vector<1x1xf32>
    %get3A_1178 = vector.extract %get3A_1177[0, 0] : f32 from vector<1x1xf32>
    %mul3A_1179 = vector.broadcast %get3A_1178 : f32 to vector<16x256xf32>
    %mul3A_1180 = arith.mulf %mul3A_1179, %sub3A_23 : vector<16x256xf32>
    %get3A_1181 = arith.constant 9 : index
    %get3A_1182 = arith.constant 7 : index
    %get3A_1183 = vector.load %arg4[%get3A_1181, %get3A_1182] : memref<16x9xf32, #tpu.memory_space<vmem>>, vector<1x1xf32>
    %get3A_1184 = vector.extract %get3A_1183[0, 0] : f32 from vector<1x1xf32>
    %mul3A_1185 = vector.broadcast %get3A_1184 : f32 to vector<16x256xf32>
    %mul3A_1186 = arith.mulf %mul3A_1185, %sub3A_25 : vector<16x256xf32>
    %add3A_1187 = arith.addf %mul3A_1180, %mul3A_1186 : vector<16x256xf32>
    %get3A_1188 = arith.constant 9 : index
    %get3A_1189 = arith.constant 8 : index
    %get3A_1190 = vector.load %arg4[%get3A_1188, %get3A_1189] : memref<16x9xf32, #tpu.memory_space<vmem>>, vector<1x1xf32>
    %get3A_1191 = vector.extract %get3A_1190[0, 0] : f32 from vector<1x1xf32>
    %mul3A_1192 = vector.broadcast %get3A_1191 : f32 to vector<16x256xf32>
    %mul3A_1193 = arith.mulf %mul3A_1192, %sub3A_27 : vector<16x256xf32>
    %add3A_1194 = arith.addf %add3A_1187, %mul3A_1193 : vector<16x256xf32>
    %mul3A_1195 = arith.mulf %add3A_1154, %add3A_1154 : vector<16x256xf32>
    %mul3A_1196 = arith.mulf %add3A_1174, %add3A_1174 : vector<16x256xf32>
    %add3A_1197 = arith.addf %mul3A_1195, %mul3A_1196 : vector<16x256xf32>
    %get3A_1198 = arith.constant 2 : index
    %get3A_1199 = arith.constant 1 : index
    %get3A_1200 = vector.load %arg5[%get3A_1198, %get3A_1199] : memref<8x16xf32, #tpu.memory_space<vmem>>, vector<1x1xf32>
    %get3A_1201 = vector.extract %get3A_1200[0, 0] : f32 from vector<1x1xf32>
    %get3A_1202 = arith.constant 3 : index
    %get3A_1203 = arith.constant 1 : index
    %get3A_1204 = vector.load %arg5[%get3A_1202, %get3A_1203] : memref<8x16xf32, #tpu.memory_space<vmem>>, vector<1x1xf32>
    %get3A_1205 = vector.extract %get3A_1204[0, 0] : f32 from vector<1x1xf32>
    %neg3A_1206 = arith.constant 0.000000e+00 : f32
    %neg3A_1207 = vector.broadcast %neg3A_1206 : f32 to vector<16x256xf32>
    %neg3A_1208 = arith.subf %neg3A_1207, %add3A_1197 : vector<16x256xf32>
    %mul3A_1209 = arith.constant 2.000000e+00 : f32
    %mul3A_1210 = arith.mulf %mul3A_1209, %get3A_1201 : f32
    %mul3A_1211 = arith.mulf %mul3A_1210, %get3A_1201 : f32
    %add3A_1212 = arith.constant 9.99999997E-7 : f32
    %add3A_1213 = arith.addf %mul3A_1211, %add3A_1212 : f32
    %div3A_1214 = vector.broadcast %add3A_1213 : f32 to vector<16x256xf32>
    %div3A_1215 = arith.divf %neg3A_1208, %div3A_1214 : vector<16x256xf32>
    %exp3A_1216 = math.exp %div3A_1215 : vector<16x256xf32>
    %neg3A_1217 = arith.constant 0.000000e+00 : f32
    %neg3A_1218 = vector.broadcast %neg3A_1217 : f32 to vector<16x256xf32>
    %neg3A_1219 = arith.subf %neg3A_1218, %add3A_1194 : vector<16x256xf32>
    %mul3A_1220 = arith.mulf %neg3A_1219, %add3A_1194 : vector<16x256xf32>
    %mul3A_1221 = arith.constant 2.000000e+00 : f32
    %mul3A_1222 = arith.mulf %mul3A_1221, %get3A_1205 : f32
    %mul3A_1223 = arith.mulf %mul3A_1222, %get3A_1205 : f32
    %add3A_1224 = arith.constant 9.99999997E-7 : f32
    %add3A_1225 = arith.addf %mul3A_1223, %add3A_1224 : f32
    %div3A_1226 = vector.broadcast %add3A_1225 : f32 to vector<16x256xf32>
    %div3A_1227 = arith.divf %mul3A_1220, %div3A_1226 : vector<16x256xf32>
    %exp3A_1228 = math.exp %div3A_1227 : vector<16x256xf32>
    %mul3A_1229 = arith.mulf %exp3A_1216, %exp3A_1228 : vector<16x256xf32>
    %reduce_sum3A_1230 = arith.constant dense<0.000000e+00> : vector<256xf32>
    %reduce_sum3A_1231 = vector.multi_reduction <add>, %mul3A_1229, %reduce_sum3A_1230 [0] : vector<16x256xf32> to vector<256xf32>
    %broadcast_in_dim3A_1232 = vector.shape_cast %reduce_sum3A_1231 : vector<256xf32> to vector<1x256xf32>
    %mul3A_1233 = arith.constant 6.250000e-02 : f32
    %mul3A_1234 = vector.broadcast %mul3A_1233 : f32 to vector<1x256xf32>
    %mul3A_1235 = arith.mulf %broadcast_in_dim3A_1232, %mul3A_1234 : vector<1x256xf32>
    %slice3A_1236 = vector.extract_strided_slice %get3A_32 {offsets = [9, 0], sizes = [1, 512], strides = [1, 1]} : vector<16x512xf32> to vector<1x512xf32>
    %slice3A_1237 = vector.extract_strided_slice %get3A_37 {offsets = [9, 0], sizes = [1, 512], strides = [1, 1]} : vector<16x512xf32> to vector<1x512xf32>
    %slice3A_1238 = vector.extract_strided_slice %get3A_42 {offsets = [9, 0], sizes = [1, 512], strides = [1, 1]} : vector<16x512xf32> to vector<1x512xf32>
    %mul3A_1239 = arith.mulf %slice3A_1236, %slice3A_1236 : vector<1x512xf32>
    %mul3A_1240 = arith.mulf %slice3A_1237, %slice3A_1237 : vector<1x512xf32>
    %add3A_1241 = arith.addf %mul3A_1239, %mul3A_1240 : vector<1x512xf32>
    %get3A_1242 = arith.constant 2 : index
    %get3A_1243 = arith.constant 1 : index
    %get3A_1244 = vector.load %arg5[%get3A_1242, %get3A_1243] : memref<8x16xf32, #tpu.memory_space<vmem>>, vector<1x1xf32>
    %get3A_1245 = vector.extract %get3A_1244[0, 0] : f32 from vector<1x1xf32>
    %get3A_1246 = arith.constant 3 : index
    %get3A_1247 = arith.constant 1 : index
    %get3A_1248 = vector.load %arg5[%get3A_1246, %get3A_1247] : memref<8x16xf32, #tpu.memory_space<vmem>>, vector<1x1xf32>
    %get3A_1249 = vector.extract %get3A_1248[0, 0] : f32 from vector<1x1xf32>
    %neg3A_1250 = arith.constant 0.000000e+00 : f32
    %neg3A_1251 = vector.broadcast %neg3A_1250 : f32 to vector<1x512xf32>
    %neg3A_1252 = arith.subf %neg3A_1251, %add3A_1241 : vector<1x512xf32>
    %mul3A_1253 = arith.constant 2.000000e+00 : f32
    %mul3A_1254 = arith.mulf %mul3A_1253, %get3A_1245 : f32
    %mul3A_1255 = arith.mulf %mul3A_1254, %get3A_1245 : f32
    %add3A_1256 = arith.constant 9.99999997E-7 : f32
    %add3A_1257 = arith.addf %mul3A_1255, %add3A_1256 : f32
    %div3A_1258 = vector.broadcast %add3A_1257 : f32 to vector<1x512xf32>
    %div3A_1259 = arith.divf %neg3A_1252, %div3A_1258 : vector<1x512xf32>
    %exp3A_1260 = math.exp %div3A_1259 : vector<1x512xf32>
    %neg3A_1261 = arith.constant 0.000000e+00 : f32
    %neg3A_1262 = vector.broadcast %neg3A_1261 : f32 to vector<1x512xf32>
    %neg3A_1263 = arith.subf %neg3A_1262, %slice3A_1238 : vector<1x512xf32>
    %mul3A_1264 = arith.mulf %neg3A_1263, %slice3A_1238 : vector<1x512xf32>
    %mul3A_1265 = arith.constant 2.000000e+00 : f32
    %mul3A_1266 = arith.mulf %mul3A_1265, %get3A_1249 : f32
    %mul3A_1267 = arith.mulf %mul3A_1266, %get3A_1249 : f32
    %add3A_1268 = arith.constant 9.99999997E-7 : f32
    %add3A_1269 = arith.addf %mul3A_1267, %add3A_1268 : f32
    %div3A_1270 = vector.broadcast %add3A_1269 : f32 to vector<1x512xf32>
    %div3A_1271 = arith.divf %mul3A_1264, %div3A_1270 : vector<1x512xf32>
    %exp3A_1272 = math.exp %div3A_1271 : vector<1x512xf32>
    %mul3A_1273 = arith.mulf %exp3A_1260, %exp3A_1272 : vector<1x512xf32>
    %reduce_sum3A_1274 = vector.shape_cast %mul3A_1273 : vector<1x512xf32> to vector<1x1x512xf32>
    %reduce_sum3A_1275 = arith.constant dense<0.000000e+00> : vector<1xf32>
    %reduce_sum3A_1276 = vector.multi_reduction <add>, %reduce_sum3A_1274, %reduce_sum3A_1275 [1, 2] : vector<1x1x512xf32> to vector<1xf32>
    %reduce_sum3A_1277 = vector.shape_cast %reduce_sum3A_1276 : vector<1xf32> to vector<1x1x1xf32>
    %reduce_sum3A_1278 = vector.extract %reduce_sum3A_1277[0, 0, 0] : f32 from vector<1x1x1xf32>
    %mul3A_1279 = arith.constant 0.001953125 : f32
    %mul3A_1280 = arith.mulf %reduce_sum3A_1278, %mul3A_1279 : f32
    %sub3A_1281 = vector.broadcast %mul3A_1280 : f32 to vector<1x256xf32>
    %sub3A_1282 = arith.subf %mul3A_1235, %sub3A_1281 : vector<1x256xf32>
    %get3A_1283 = arith.constant 10 : index
    %get3A_1284 = arith.constant 0 : index
    %get3A_1285 = vector.load %arg4[%get3A_1283, %get3A_1284] : memref<16x9xf32, #tpu.memory_space<vmem>>, vector<1x1xf32>
    %get3A_1286 = vector.extract %get3A_1285[0, 0] : f32 from vector<1x1xf32>
    %mul3A_1287 = vector.broadcast %get3A_1286 : f32 to vector<16x256xf32>
    %mul3A_1288 = arith.mulf %mul3A_1287, %sub3A_23 : vector<16x256xf32>
    %get3A_1289 = arith.constant 10 : index
    %get3A_1290 = arith.constant 1 : index
    %get3A_1291 = vector.load %arg4[%get3A_1289, %get3A_1290] : memref<16x9xf32, #tpu.memory_space<vmem>>, vector<1x1xf32>
    %get3A_1292 = vector.extract %get3A_1291[0, 0] : f32 from vector<1x1xf32>
    %mul3A_1293 = vector.broadcast %get3A_1292 : f32 to vector<16x256xf32>
    %mul3A_1294 = arith.mulf %mul3A_1293, %sub3A_25 : vector<16x256xf32>
    %add3A_1295 = arith.addf %mul3A_1288, %mul3A_1294 : vector<16x256xf32>
    %get3A_1296 = arith.constant 10 : index
    %get3A_1297 = arith.constant 2 : index
    %get3A_1298 = vector.load %arg4[%get3A_1296, %get3A_1297] : memref<16x9xf32, #tpu.memory_space<vmem>>, vector<1x1xf32>
    %get3A_1299 = vector.extract %get3A_1298[0, 0] : f32 from vector<1x1xf32>
    %mul3A_1300 = vector.broadcast %get3A_1299 : f32 to vector<16x256xf32>
    %mul3A_1301 = arith.mulf %mul3A_1300, %sub3A_27 : vector<16x256xf32>
    %add3A_1302 = arith.addf %add3A_1295, %mul3A_1301 : vector<16x256xf32>
    %get3A_1303 = arith.constant 10 : index
    %get3A_1304 = arith.constant 3 : index
    %get3A_1305 = vector.load %arg4[%get3A_1303, %get3A_1304] : memref<16x9xf32, #tpu.memory_space<vmem>>, vector<1x1xf32>
    %get3A_1306 = vector.extract %get3A_1305[0, 0] : f32 from vector<1x1xf32>
    %mul3A_1307 = vector.broadcast %get3A_1306 : f32 to vector<16x256xf32>
    %mul3A_1308 = arith.mulf %mul3A_1307, %sub3A_23 : vector<16x256xf32>
    %get3A_1309 = arith.constant 10 : index
    %get3A_1310 = arith.constant 4 : index
    %get3A_1311 = vector.load %arg4[%get3A_1309, %get3A_1310] : memref<16x9xf32, #tpu.memory_space<vmem>>, vector<1x1xf32>
    %get3A_1312 = vector.extract %get3A_1311[0, 0] : f32 from vector<1x1xf32>
    %mul3A_1313 = vector.broadcast %get3A_1312 : f32 to vector<16x256xf32>
    %mul3A_1314 = arith.mulf %mul3A_1313, %sub3A_25 : vector<16x256xf32>
    %add3A_1315 = arith.addf %mul3A_1308, %mul3A_1314 : vector<16x256xf32>
    %get3A_1316 = arith.constant 10 : index
    %get3A_1317 = arith.constant 5 : index
    %get3A_1318 = vector.load %arg4[%get3A_1316, %get3A_1317] : memref<16x9xf32, #tpu.memory_space<vmem>>, vector<1x1xf32>
    %get3A_1319 = vector.extract %get3A_1318[0, 0] : f32 from vector<1x1xf32>
    %mul3A_1320 = vector.broadcast %get3A_1319 : f32 to vector<16x256xf32>
    %mul3A_1321 = arith.mulf %mul3A_1320, %sub3A_27 : vector<16x256xf32>
    %add3A_1322 = arith.addf %add3A_1315, %mul3A_1321 : vector<16x256xf32>
    %get3A_1323 = arith.constant 10 : index
    %get3A_1324 = arith.constant 6 : index
    %get3A_1325 = vector.load %arg4[%get3A_1323, %get3A_1324] : memref<16x9xf32, #tpu.memory_space<vmem>>, vector<1x1xf32>
    %get3A_1326 = vector.extract %get3A_1325[0, 0] : f32 from vector<1x1xf32>
    %mul3A_1327 = vector.broadcast %get3A_1326 : f32 to vector<16x256xf32>
    %mul3A_1328 = arith.mulf %mul3A_1327, %sub3A_23 : vector<16x256xf32>
    %get3A_1329 = arith.constant 10 : index
    %get3A_1330 = arith.constant 7 : index
    %get3A_1331 = vector.load %arg4[%get3A_1329, %get3A_1330] : memref<16x9xf32, #tpu.memory_space<vmem>>, vector<1x1xf32>
    %get3A_1332 = vector.extract %get3A_1331[0, 0] : f32 from vector<1x1xf32>
    %mul3A_1333 = vector.broadcast %get3A_1332 : f32 to vector<16x256xf32>
    %mul3A_1334 = arith.mulf %mul3A_1333, %sub3A_25 : vector<16x256xf32>
    %add3A_1335 = arith.addf %mul3A_1328, %mul3A_1334 : vector<16x256xf32>
    %get3A_1336 = arith.constant 10 : index
    %get3A_1337 = arith.constant 8 : index
    %get3A_1338 = vector.load %arg4[%get3A_1336, %get3A_1337] : memref<16x9xf32, #tpu.memory_space<vmem>>, vector<1x1xf32>
    %get3A_1339 = vector.extract %get3A_1338[0, 0] : f32 from vector<1x1xf32>
    %mul3A_1340 = vector.broadcast %get3A_1339 : f32 to vector<16x256xf32>
    %mul3A_1341 = arith.mulf %mul3A_1340, %sub3A_27 : vector<16x256xf32>
    %add3A_1342 = arith.addf %add3A_1335, %mul3A_1341 : vector<16x256xf32>
    %mul3A_1343 = arith.mulf %add3A_1302, %add3A_1302 : vector<16x256xf32>
    %mul3A_1344 = arith.mulf %add3A_1322, %add3A_1322 : vector<16x256xf32>
    %add3A_1345 = arith.addf %mul3A_1343, %mul3A_1344 : vector<16x256xf32>
    %get3A_1346 = arith.constant 2 : index
    %get3A_1347 = arith.constant 2 : index
    %get3A_1348 = vector.load %arg5[%get3A_1346, %get3A_1347] : memref<8x16xf32, #tpu.memory_space<vmem>>, vector<1x1xf32>
    %get3A_1349 = vector.extract %get3A_1348[0, 0] : f32 from vector<1x1xf32>
    %get3A_1350 = arith.constant 3 : index
    %get3A_1351 = arith.constant 2 : index
    %get3A_1352 = vector.load %arg5[%get3A_1350, %get3A_1351] : memref<8x16xf32, #tpu.memory_space<vmem>>, vector<1x1xf32>
    %get3A_1353 = vector.extract %get3A_1352[0, 0] : f32 from vector<1x1xf32>
    %neg3A_1354 = arith.constant 0.000000e+00 : f32
    %neg3A_1355 = vector.broadcast %neg3A_1354 : f32 to vector<16x256xf32>
    %neg3A_1356 = arith.subf %neg3A_1355, %add3A_1345 : vector<16x256xf32>
    %mul3A_1357 = arith.constant 2.000000e+00 : f32
    %mul3A_1358 = arith.mulf %mul3A_1357, %get3A_1349 : f32
    %mul3A_1359 = arith.mulf %mul3A_1358, %get3A_1349 : f32
    %add3A_1360 = arith.constant 9.99999997E-7 : f32
    %add3A_1361 = arith.addf %mul3A_1359, %add3A_1360 : f32
    %div3A_1362 = vector.broadcast %add3A_1361 : f32 to vector<16x256xf32>
    %div3A_1363 = arith.divf %neg3A_1356, %div3A_1362 : vector<16x256xf32>
    %exp3A_1364 = math.exp %div3A_1363 : vector<16x256xf32>
    %neg3A_1365 = arith.constant 0.000000e+00 : f32
    %neg3A_1366 = vector.broadcast %neg3A_1365 : f32 to vector<16x256xf32>
    %neg3A_1367 = arith.subf %neg3A_1366, %add3A_1342 : vector<16x256xf32>
    %mul3A_1368 = arith.mulf %neg3A_1367, %add3A_1342 : vector<16x256xf32>
    %mul3A_1369 = arith.constant 2.000000e+00 : f32
    %mul3A_1370 = arith.mulf %mul3A_1369, %get3A_1353 : f32
    %mul3A_1371 = arith.mulf %mul3A_1370, %get3A_1353 : f32
    %add3A_1372 = arith.constant 9.99999997E-7 : f32
    %add3A_1373 = arith.addf %mul3A_1371, %add3A_1372 : f32
    %div3A_1374 = vector.broadcast %add3A_1373 : f32 to vector<16x256xf32>
    %div3A_1375 = arith.divf %mul3A_1368, %div3A_1374 : vector<16x256xf32>
    %exp3A_1376 = math.exp %div3A_1375 : vector<16x256xf32>
    %mul3A_1377 = arith.mulf %exp3A_1364, %exp3A_1376 : vector<16x256xf32>
    %reduce_sum3A_1378 = arith.constant dense<0.000000e+00> : vector<256xf32>
    %reduce_sum3A_1379 = vector.multi_reduction <add>, %mul3A_1377, %reduce_sum3A_1378 [0] : vector<16x256xf32> to vector<256xf32>
    %broadcast_in_dim3A_1380 = vector.shape_cast %reduce_sum3A_1379 : vector<256xf32> to vector<1x256xf32>
    %mul3A_1381 = arith.constant 6.250000e-02 : f32
    %mul3A_1382 = vector.broadcast %mul3A_1381 : f32 to vector<1x256xf32>
    %mul3A_1383 = arith.mulf %broadcast_in_dim3A_1380, %mul3A_1382 : vector<1x256xf32>
    %slice3A_1384 = vector.extract_strided_slice %get3A_32 {offsets = [10, 0], sizes = [1, 512], strides = [1, 1]} : vector<16x512xf32> to vector<1x512xf32>
    %slice3A_1385 = vector.extract_strided_slice %get3A_37 {offsets = [10, 0], sizes = [1, 512], strides = [1, 1]} : vector<16x512xf32> to vector<1x512xf32>
    %slice3A_1386 = vector.extract_strided_slice %get3A_42 {offsets = [10, 0], sizes = [1, 512], strides = [1, 1]} : vector<16x512xf32> to vector<1x512xf32>
    %mul3A_1387 = arith.mulf %slice3A_1384, %slice3A_1384 : vector<1x512xf32>
    %mul3A_1388 = arith.mulf %slice3A_1385, %slice3A_1385 : vector<1x512xf32>
    %add3A_1389 = arith.addf %mul3A_1387, %mul3A_1388 : vector<1x512xf32>
    %get3A_1390 = arith.constant 2 : index
    %get3A_1391 = arith.constant 2 : index
    %get3A_1392 = vector.load %arg5[%get3A_1390, %get3A_1391] : memref<8x16xf32, #tpu.memory_space<vmem>>, vector<1x1xf32>
    %get3A_1393 = vector.extract %get3A_1392[0, 0] : f32 from vector<1x1xf32>
    %get3A_1394 = arith.constant 3 : index
    %get3A_1395 = arith.constant 2 : index
    %get3A_1396 = vector.load %arg5[%get3A_1394, %get3A_1395] : memref<8x16xf32, #tpu.memory_space<vmem>>, vector<1x1xf32>
    %get3A_1397 = vector.extract %get3A_1396[0, 0] : f32 from vector<1x1xf32>
    %neg3A_1398 = arith.constant 0.000000e+00 : f32
    %neg3A_1399 = vector.broadcast %neg3A_1398 : f32 to vector<1x512xf32>
    %neg3A_1400 = arith.subf %neg3A_1399, %add3A_1389 : vector<1x512xf32>
    %mul3A_1401 = arith.constant 2.000000e+00 : f32
    %mul3A_1402 = arith.mulf %mul3A_1401, %get3A_1393 : f32
    %mul3A_1403 = arith.mulf %mul3A_1402, %get3A_1393 : f32
    %add3A_1404 = arith.constant 9.99999997E-7 : f32
    %add3A_1405 = arith.addf %mul3A_1403, %add3A_1404 : f32
    %div3A_1406 = vector.broadcast %add3A_1405 : f32 to vector<1x512xf32>
    %div3A_1407 = arith.divf %neg3A_1400, %div3A_1406 : vector<1x512xf32>
    %exp3A_1408 = math.exp %div3A_1407 : vector<1x512xf32>
    %neg3A_1409 = arith.constant 0.000000e+00 : f32
    %neg3A_1410 = vector.broadcast %neg3A_1409 : f32 to vector<1x512xf32>
    %neg3A_1411 = arith.subf %neg3A_1410, %slice3A_1386 : vector<1x512xf32>
    %mul3A_1412 = arith.mulf %neg3A_1411, %slice3A_1386 : vector<1x512xf32>
    %mul3A_1413 = arith.constant 2.000000e+00 : f32
    %mul3A_1414 = arith.mulf %mul3A_1413, %get3A_1397 : f32
    %mul3A_1415 = arith.mulf %mul3A_1414, %get3A_1397 : f32
    %add3A_1416 = arith.constant 9.99999997E-7 : f32
    %add3A_1417 = arith.addf %mul3A_1415, %add3A_1416 : f32
    %div3A_1418 = vector.broadcast %add3A_1417 : f32 to vector<1x512xf32>
    %div3A_1419 = arith.divf %mul3A_1412, %div3A_1418 : vector<1x512xf32>
    %exp3A_1420 = math.exp %div3A_1419 : vector<1x512xf32>
    %mul3A_1421 = arith.mulf %exp3A_1408, %exp3A_1420 : vector<1x512xf32>
    %reduce_sum3A_1422 = vector.shape_cast %mul3A_1421 : vector<1x512xf32> to vector<1x1x512xf32>
    %reduce_sum3A_1423 = arith.constant dense<0.000000e+00> : vector<1xf32>
    %reduce_sum3A_1424 = vector.multi_reduction <add>, %reduce_sum3A_1422, %reduce_sum3A_1423 [1, 2] : vector<1x1x512xf32> to vector<1xf32>
    %reduce_sum3A_1425 = vector.shape_cast %reduce_sum3A_1424 : vector<1xf32> to vector<1x1x1xf32>
    %reduce_sum3A_1426 = vector.extract %reduce_sum3A_1425[0, 0, 0] : f32 from vector<1x1x1xf32>
    %mul3A_1427 = arith.constant 0.001953125 : f32
    %mul3A_1428 = arith.mulf %reduce_sum3A_1426, %mul3A_1427 : f32
    %sub3A_1429 = vector.broadcast %mul3A_1428 : f32 to vector<1x256xf32>
    %sub3A_1430 = arith.subf %mul3A_1383, %sub3A_1429 : vector<1x256xf32>
    %get3A_1431 = arith.constant 11 : index
    %get3A_1432 = arith.constant 0 : index
    %get3A_1433 = vector.load %arg4[%get3A_1431, %get3A_1432] : memref<16x9xf32, #tpu.memory_space<vmem>>, vector<1x1xf32>
    %get3A_1434 = vector.extract %get3A_1433[0, 0] : f32 from vector<1x1xf32>
    %mul3A_1435 = vector.broadcast %get3A_1434 : f32 to vector<16x256xf32>
    %mul3A_1436 = arith.mulf %mul3A_1435, %sub3A_23 : vector<16x256xf32>
    %get3A_1437 = arith.constant 11 : index
    %get3A_1438 = arith.constant 1 : index
    %get3A_1439 = vector.load %arg4[%get3A_1437, %get3A_1438] : memref<16x9xf32, #tpu.memory_space<vmem>>, vector<1x1xf32>
    %get3A_1440 = vector.extract %get3A_1439[0, 0] : f32 from vector<1x1xf32>
    %mul3A_1441 = vector.broadcast %get3A_1440 : f32 to vector<16x256xf32>
    %mul3A_1442 = arith.mulf %mul3A_1441, %sub3A_25 : vector<16x256xf32>
    %add3A_1443 = arith.addf %mul3A_1436, %mul3A_1442 : vector<16x256xf32>
    %get3A_1444 = arith.constant 11 : index
    %get3A_1445 = arith.constant 2 : index
    %get3A_1446 = vector.load %arg4[%get3A_1444, %get3A_1445] : memref<16x9xf32, #tpu.memory_space<vmem>>, vector<1x1xf32>
    %get3A_1447 = vector.extract %get3A_1446[0, 0] : f32 from vector<1x1xf32>
    %mul3A_1448 = vector.broadcast %get3A_1447 : f32 to vector<16x256xf32>
    %mul3A_1449 = arith.mulf %mul3A_1448, %sub3A_27 : vector<16x256xf32>
    %add3A_1450 = arith.addf %add3A_1443, %mul3A_1449 : vector<16x256xf32>
    %get3A_1451 = arith.constant 11 : index
    %get3A_1452 = arith.constant 3 : index
    %get3A_1453 = vector.load %arg4[%get3A_1451, %get3A_1452] : memref<16x9xf32, #tpu.memory_space<vmem>>, vector<1x1xf32>
    %get3A_1454 = vector.extract %get3A_1453[0, 0] : f32 from vector<1x1xf32>
    %mul3A_1455 = vector.broadcast %get3A_1454 : f32 to vector<16x256xf32>
    %mul3A_1456 = arith.mulf %mul3A_1455, %sub3A_23 : vector<16x256xf32>
    %get3A_1457 = arith.constant 11 : index
    %get3A_1458 = arith.constant 4 : index
    %get3A_1459 = vector.load %arg4[%get3A_1457, %get3A_1458] : memref<16x9xf32, #tpu.memory_space<vmem>>, vector<1x1xf32>
    %get3A_1460 = vector.extract %get3A_1459[0, 0] : f32 from vector<1x1xf32>
    %mul3A_1461 = vector.broadcast %get3A_1460 : f32 to vector<16x256xf32>
    %mul3A_1462 = arith.mulf %mul3A_1461, %sub3A_25 : vector<16x256xf32>
    %add3A_1463 = arith.addf %mul3A_1456, %mul3A_1462 : vector<16x256xf32>
    %get3A_1464 = arith.constant 11 : index
    %get3A_1465 = arith.constant 5 : index
    %get3A_1466 = vector.load %arg4[%get3A_1464, %get3A_1465] : memref<16x9xf32, #tpu.memory_space<vmem>>, vector<1x1xf32>
    %get3A_1467 = vector.extract %get3A_1466[0, 0] : f32 from vector<1x1xf32>
    %mul3A_1468 = vector.broadcast %get3A_1467 : f32 to vector<16x256xf32>
    %mul3A_1469 = arith.mulf %mul3A_1468, %sub3A_27 : vector<16x256xf32>
    %add3A_1470 = arith.addf %add3A_1463, %mul3A_1469 : vector<16x256xf32>
    %get3A_1471 = arith.constant 11 : index
    %get3A_1472 = arith.constant 6 : index
    %get3A_1473 = vector.load %arg4[%get3A_1471, %get3A_1472] : memref<16x9xf32, #tpu.memory_space<vmem>>, vector<1x1xf32>
    %get3A_1474 = vector.extract %get3A_1473[0, 0] : f32 from vector<1x1xf32>
    %mul3A_1475 = vector.broadcast %get3A_1474 : f32 to vector<16x256xf32>
    %mul3A_1476 = arith.mulf %mul3A_1475, %sub3A_23 : vector<16x256xf32>
    %get3A_1477 = arith.constant 11 : index
    %get3A_1478 = arith.constant 7 : index
    %get3A_1479 = vector.load %arg4[%get3A_1477, %get3A_1478] : memref<16x9xf32, #tpu.memory_space<vmem>>, vector<1x1xf32>
    %get3A_1480 = vector.extract %get3A_1479[0, 0] : f32 from vector<1x1xf32>
    %mul3A_1481 = vector.broadcast %get3A_1480 : f32 to vector<16x256xf32>
    %mul3A_1482 = arith.mulf %mul3A_1481, %sub3A_25 : vector<16x256xf32>
    %add3A_1483 = arith.addf %mul3A_1476, %mul3A_1482 : vector<16x256xf32>
    %get3A_1484 = arith.constant 11 : index
    %get3A_1485 = arith.constant 8 : index
    %get3A_1486 = vector.load %arg4[%get3A_1484, %get3A_1485] : memref<16x9xf32, #tpu.memory_space<vmem>>, vector<1x1xf32>
    %get3A_1487 = vector.extract %get3A_1486[0, 0] : f32 from vector<1x1xf32>
    %mul3A_1488 = vector.broadcast %get3A_1487 : f32 to vector<16x256xf32>
    %mul3A_1489 = arith.mulf %mul3A_1488, %sub3A_27 : vector<16x256xf32>
    %add3A_1490 = arith.addf %add3A_1483, %mul3A_1489 : vector<16x256xf32>
    %mul3A_1491 = arith.mulf %add3A_1450, %add3A_1450 : vector<16x256xf32>
    %mul3A_1492 = arith.mulf %add3A_1470, %add3A_1470 : vector<16x256xf32>
    %add3A_1493 = arith.addf %mul3A_1491, %mul3A_1492 : vector<16x256xf32>
    %get3A_1494 = arith.constant 2 : index
    %get3A_1495 = arith.constant 3 : index
    %get3A_1496 = vector.load %arg5[%get3A_1494, %get3A_1495] : memref<8x16xf32, #tpu.memory_space<vmem>>, vector<1x1xf32>
    %get3A_1497 = vector.extract %get3A_1496[0, 0] : f32 from vector<1x1xf32>
    %get3A_1498 = arith.constant 3 : index
    %get3A_1499 = arith.constant 3 : index
    %get3A_1500 = vector.load %arg5[%get3A_1498, %get3A_1499] : memref<8x16xf32, #tpu.memory_space<vmem>>, vector<1x1xf32>
    %get3A_1501 = vector.extract %get3A_1500[0, 0] : f32 from vector<1x1xf32>
    %neg3A_1502 = arith.constant 0.000000e+00 : f32
    %neg3A_1503 = vector.broadcast %neg3A_1502 : f32 to vector<16x256xf32>
    %neg3A_1504 = arith.subf %neg3A_1503, %add3A_1493 : vector<16x256xf32>
    %mul3A_1505 = arith.constant 2.000000e+00 : f32
    %mul3A_1506 = arith.mulf %mul3A_1505, %get3A_1497 : f32
    %mul3A_1507 = arith.mulf %mul3A_1506, %get3A_1497 : f32
    %add3A_1508 = arith.constant 9.99999997E-7 : f32
    %add3A_1509 = arith.addf %mul3A_1507, %add3A_1508 : f32
    %div3A_1510 = vector.broadcast %add3A_1509 : f32 to vector<16x256xf32>
    %div3A_1511 = arith.divf %neg3A_1504, %div3A_1510 : vector<16x256xf32>
    %exp3A_1512 = math.exp %div3A_1511 : vector<16x256xf32>
    %neg3A_1513 = arith.constant 0.000000e+00 : f32
    %neg3A_1514 = vector.broadcast %neg3A_1513 : f32 to vector<16x256xf32>
    %neg3A_1515 = arith.subf %neg3A_1514, %add3A_1490 : vector<16x256xf32>
    %mul3A_1516 = arith.mulf %neg3A_1515, %add3A_1490 : vector<16x256xf32>
    %mul3A_1517 = arith.constant 2.000000e+00 : f32
    %mul3A_1518 = arith.mulf %mul3A_1517, %get3A_1501 : f32
    %mul3A_1519 = arith.mulf %mul3A_1518, %get3A_1501 : f32
    %add3A_1520 = arith.constant 9.99999997E-7 : f32
    %add3A_1521 = arith.addf %mul3A_1519, %add3A_1520 : f32
    %div3A_1522 = vector.broadcast %add3A_1521 : f32 to vector<16x256xf32>
    %div3A_1523 = arith.divf %mul3A_1516, %div3A_1522 : vector<16x256xf32>
    %exp3A_1524 = math.exp %div3A_1523 : vector<16x256xf32>
    %mul3A_1525 = arith.mulf %exp3A_1512, %exp3A_1524 : vector<16x256xf32>
    %reduce_sum3A_1526 = arith.constant dense<0.000000e+00> : vector<256xf32>
    %reduce_sum3A_1527 = vector.multi_reduction <add>, %mul3A_1525, %reduce_sum3A_1526 [0] : vector<16x256xf32> to vector<256xf32>
    %broadcast_in_dim3A_1528 = vector.shape_cast %reduce_sum3A_1527 : vector<256xf32> to vector<1x256xf32>
    %mul3A_1529 = arith.constant 6.250000e-02 : f32
    %mul3A_1530 = vector.broadcast %mul3A_1529 : f32 to vector<1x256xf32>
    %mul3A_1531 = arith.mulf %broadcast_in_dim3A_1528, %mul3A_1530 : vector<1x256xf32>
    %slice3A_1532 = vector.extract_strided_slice %get3A_32 {offsets = [11, 0], sizes = [1, 512], strides = [1, 1]} : vector<16x512xf32> to vector<1x512xf32>
    %slice3A_1533 = vector.extract_strided_slice %get3A_37 {offsets = [11, 0], sizes = [1, 512], strides = [1, 1]} : vector<16x512xf32> to vector<1x512xf32>
    %slice3A_1534 = vector.extract_strided_slice %get3A_42 {offsets = [11, 0], sizes = [1, 512], strides = [1, 1]} : vector<16x512xf32> to vector<1x512xf32>
    %mul3A_1535 = arith.mulf %slice3A_1532, %slice3A_1532 : vector<1x512xf32>
    %mul3A_1536 = arith.mulf %slice3A_1533, %slice3A_1533 : vector<1x512xf32>
    %add3A_1537 = arith.addf %mul3A_1535, %mul3A_1536 : vector<1x512xf32>
    %get3A_1538 = arith.constant 2 : index
    %get3A_1539 = arith.constant 3 : index
    %get3A_1540 = vector.load %arg5[%get3A_1538, %get3A_1539] : memref<8x16xf32, #tpu.memory_space<vmem>>, vector<1x1xf32>
    %get3A_1541 = vector.extract %get3A_1540[0, 0] : f32 from vector<1x1xf32>
    %get3A_1542 = arith.constant 3 : index
    %get3A_1543 = arith.constant 3 : index
    %get3A_1544 = vector.load %arg5[%get3A_1542, %get3A_1543] : memref<8x16xf32, #tpu.memory_space<vmem>>, vector<1x1xf32>
    %get3A_1545 = vector.extract %get3A_1544[0, 0] : f32 from vector<1x1xf32>
    %neg3A_1546 = arith.constant 0.000000e+00 : f32
    %neg3A_1547 = vector.broadcast %neg3A_1546 : f32 to vector<1x512xf32>
    %neg3A_1548 = arith.subf %neg3A_1547, %add3A_1537 : vector<1x512xf32>
    %mul3A_1549 = arith.constant 2.000000e+00 : f32
    %mul3A_1550 = arith.mulf %mul3A_1549, %get3A_1541 : f32
    %mul3A_1551 = arith.mulf %mul3A_1550, %get3A_1541 : f32
    %add3A_1552 = arith.constant 9.99999997E-7 : f32
    %add3A_1553 = arith.addf %mul3A_1551, %add3A_1552 : f32
    %div3A_1554 = vector.broadcast %add3A_1553 : f32 to vector<1x512xf32>
    %div3A_1555 = arith.divf %neg3A_1548, %div3A_1554 : vector<1x512xf32>
    %exp3A_1556 = math.exp %div3A_1555 : vector<1x512xf32>
    %neg3A_1557 = arith.constant 0.000000e+00 : f32
    %neg3A_1558 = vector.broadcast %neg3A_1557 : f32 to vector<1x512xf32>
    %neg3A_1559 = arith.subf %neg3A_1558, %slice3A_1534 : vector<1x512xf32>
    %mul3A_1560 = arith.mulf %neg3A_1559, %slice3A_1534 : vector<1x512xf32>
    %mul3A_1561 = arith.constant 2.000000e+00 : f32
    %mul3A_1562 = arith.mulf %mul3A_1561, %get3A_1545 : f32
    %mul3A_1563 = arith.mulf %mul3A_1562, %get3A_1545 : f32
    %add3A_1564 = arith.constant 9.99999997E-7 : f32
    %add3A_1565 = arith.addf %mul3A_1563, %add3A_1564 : f32
    %div3A_1566 = vector.broadcast %add3A_1565 : f32 to vector<1x512xf32>
    %div3A_1567 = arith.divf %mul3A_1560, %div3A_1566 : vector<1x512xf32>
    %exp3A_1568 = math.exp %div3A_1567 : vector<1x512xf32>
    %mul3A_1569 = arith.mulf %exp3A_1556, %exp3A_1568 : vector<1x512xf32>
    %reduce_sum3A_1570 = vector.shape_cast %mul3A_1569 : vector<1x512xf32> to vector<1x1x512xf32>
    %reduce_sum3A_1571 = arith.constant dense<0.000000e+00> : vector<1xf32>
    %reduce_sum3A_1572 = vector.multi_reduction <add>, %reduce_sum3A_1570, %reduce_sum3A_1571 [1, 2] : vector<1x1x512xf32> to vector<1xf32>
    %reduce_sum3A_1573 = vector.shape_cast %reduce_sum3A_1572 : vector<1xf32> to vector<1x1x1xf32>
    %reduce_sum3A_1574 = vector.extract %reduce_sum3A_1573[0, 0, 0] : f32 from vector<1x1x1xf32>
    %mul3A_1575 = arith.constant 0.001953125 : f32
    %mul3A_1576 = arith.mulf %reduce_sum3A_1574, %mul3A_1575 : f32
    %sub3A_1577 = vector.broadcast %mul3A_1576 : f32 to vector<1x256xf32>
    %sub3A_1578 = arith.subf %mul3A_1531, %sub3A_1577 : vector<1x256xf32>
    %get3A_1579 = arith.constant 12 : index
    %get3A_1580 = arith.constant 0 : index
    %get3A_1581 = vector.load %arg4[%get3A_1579, %get3A_1580] : memref<16x9xf32, #tpu.memory_space<vmem>>, vector<1x1xf32>
    %get3A_1582 = vector.extract %get3A_1581[0, 0] : f32 from vector<1x1xf32>
    %mul3A_1583 = vector.broadcast %get3A_1582 : f32 to vector<16x256xf32>
    %mul3A_1584 = arith.mulf %mul3A_1583, %sub3A_23 : vector<16x256xf32>
    %get3A_1585 = arith.constant 12 : index
    %get3A_1586 = arith.constant 1 : index
    %get3A_1587 = vector.load %arg4[%get3A_1585, %get3A_1586] : memref<16x9xf32, #tpu.memory_space<vmem>>, vector<1x1xf32>
    %get3A_1588 = vector.extract %get3A_1587[0, 0] : f32 from vector<1x1xf32>
    %mul3A_1589 = vector.broadcast %get3A_1588 : f32 to vector<16x256xf32>
    %mul3A_1590 = arith.mulf %mul3A_1589, %sub3A_25 : vector<16x256xf32>
    %add3A_1591 = arith.addf %mul3A_1584, %mul3A_1590 : vector<16x256xf32>
    %get3A_1592 = arith.constant 12 : index
    %get3A_1593 = arith.constant 2 : index
    %get3A_1594 = vector.load %arg4[%get3A_1592, %get3A_1593] : memref<16x9xf32, #tpu.memory_space<vmem>>, vector<1x1xf32>
    %get3A_1595 = vector.extract %get3A_1594[0, 0] : f32 from vector<1x1xf32>
    %mul3A_1596 = vector.broadcast %get3A_1595 : f32 to vector<16x256xf32>
    %mul3A_1597 = arith.mulf %mul3A_1596, %sub3A_27 : vector<16x256xf32>
    %add3A_1598 = arith.addf %add3A_1591, %mul3A_1597 : vector<16x256xf32>
    %get3A_1599 = arith.constant 12 : index
    %get3A_1600 = arith.constant 3 : index
    %get3A_1601 = vector.load %arg4[%get3A_1599, %get3A_1600] : memref<16x9xf32, #tpu.memory_space<vmem>>, vector<1x1xf32>
    %get3A_1602 = vector.extract %get3A_1601[0, 0] : f32 from vector<1x1xf32>
    %mul3A_1603 = vector.broadcast %get3A_1602 : f32 to vector<16x256xf32>
    %mul3A_1604 = arith.mulf %mul3A_1603, %sub3A_23 : vector<16x256xf32>
    %get3A_1605 = arith.constant 12 : index
    %get3A_1606 = arith.constant 4 : index
    %get3A_1607 = vector.load %arg4[%get3A_1605, %get3A_1606] : memref<16x9xf32, #tpu.memory_space<vmem>>, vector<1x1xf32>
    %get3A_1608 = vector.extract %get3A_1607[0, 0] : f32 from vector<1x1xf32>
    %mul3A_1609 = vector.broadcast %get3A_1608 : f32 to vector<16x256xf32>
    %mul3A_1610 = arith.mulf %mul3A_1609, %sub3A_25 : vector<16x256xf32>
    %add3A_1611 = arith.addf %mul3A_1604, %mul3A_1610 : vector<16x256xf32>
    %get3A_1612 = arith.constant 12 : index
    %get3A_1613 = arith.constant 5 : index
    %get3A_1614 = vector.load %arg4[%get3A_1612, %get3A_1613] : memref<16x9xf32, #tpu.memory_space<vmem>>, vector<1x1xf32>
    %get3A_1615 = vector.extract %get3A_1614[0, 0] : f32 from vector<1x1xf32>
    %mul3A_1616 = vector.broadcast %get3A_1615 : f32 to vector<16x256xf32>
    %mul3A_1617 = arith.mulf %mul3A_1616, %sub3A_27 : vector<16x256xf32>
    %add3A_1618 = arith.addf %add3A_1611, %mul3A_1617 : vector<16x256xf32>
    %get3A_1619 = arith.constant 12 : index
    %get3A_1620 = arith.constant 6 : index
    %get3A_1621 = vector.load %arg4[%get3A_1619, %get3A_1620] : memref<16x9xf32, #tpu.memory_space<vmem>>, vector<1x1xf32>
    %get3A_1622 = vector.extract %get3A_1621[0, 0] : f32 from vector<1x1xf32>
    %mul3A_1623 = vector.broadcast %get3A_1622 : f32 to vector<16x256xf32>
    %mul3A_1624 = arith.mulf %mul3A_1623, %sub3A_23 : vector<16x256xf32>
    %get3A_1625 = arith.constant 12 : index
    %get3A_1626 = arith.constant 7 : index
    %get3A_1627 = vector.load %arg4[%get3A_1625, %get3A_1626] : memref<16x9xf32, #tpu.memory_space<vmem>>, vector<1x1xf32>
    %get3A_1628 = vector.extract %get3A_1627[0, 0] : f32 from vector<1x1xf32>
    %mul3A_1629 = vector.broadcast %get3A_1628 : f32 to vector<16x256xf32>
    %mul3A_1630 = arith.mulf %mul3A_1629, %sub3A_25 : vector<16x256xf32>
    %add3A_1631 = arith.addf %mul3A_1624, %mul3A_1630 : vector<16x256xf32>
    %get3A_1632 = arith.constant 12 : index
    %get3A_1633 = arith.constant 8 : index
    %get3A_1634 = vector.load %arg4[%get3A_1632, %get3A_1633] : memref<16x9xf32, #tpu.memory_space<vmem>>, vector<1x1xf32>
    %get3A_1635 = vector.extract %get3A_1634[0, 0] : f32 from vector<1x1xf32>
    %mul3A_1636 = vector.broadcast %get3A_1635 : f32 to vector<16x256xf32>
    %mul3A_1637 = arith.mulf %mul3A_1636, %sub3A_27 : vector<16x256xf32>
    %add3A_1638 = arith.addf %add3A_1631, %mul3A_1637 : vector<16x256xf32>
    %get3A_1639 = arith.constant 4 : index
    %get3A_1640 = arith.constant 0 : index
    %get3A_1641 = vector.load %arg5[%get3A_1639, %get3A_1640] : memref<8x16xf32, #tpu.memory_space<vmem>>, vector<1x1xf32>
    %get3A_1642 = vector.extract %get3A_1641[0, 0] : f32 from vector<1x1xf32>
    %get3A_1643 = arith.constant 5 : index
    %get3A_1644 = arith.constant 0 : index
    %get3A_1645 = vector.load %arg5[%get3A_1643, %get3A_1644] : memref<8x16xf32, #tpu.memory_space<vmem>>, vector<1x1xf32>
    %get3A_1646 = vector.extract %get3A_1645[0, 0] : f32 from vector<1x1xf32>
    %get3A_1647 = arith.constant 6 : index
    %get3A_1648 = arith.constant 0 : index
    %get3A_1649 = vector.load %arg5[%get3A_1647, %get3A_1648] : memref<8x16xf32, #tpu.memory_space<vmem>>, vector<1x1xf32>
    %get3A_1650 = vector.extract %get3A_1649[0, 0] : f32 from vector<1x1xf32>
    %mul3A_1651 = arith.mulf %add3A_1598, %add3A_1598 : vector<16x256xf32>
    %mul3A_1652 = arith.mulf %get3A_1642, %get3A_1642 : f32
    %add3A_1653 = arith.constant 9.99999997E-7 : f32
    %add3A_1654 = arith.addf %mul3A_1652, %add3A_1653 : f32
    %div3A_1655 = vector.broadcast %add3A_1654 : f32 to vector<16x256xf32>
    %div3A_1656 = arith.divf %mul3A_1651, %div3A_1655 : vector<16x256xf32>
    %mul3A_1657 = arith.mulf %add3A_1618, %add3A_1618 : vector<16x256xf32>
    %mul3A_1658 = arith.mulf %get3A_1646, %get3A_1646 : f32
    %add3A_1659 = arith.constant 9.99999997E-7 : f32
    %add3A_1660 = arith.addf %mul3A_1658, %add3A_1659 : f32
    %div3A_1661 = vector.broadcast %add3A_1660 : f32 to vector<16x256xf32>
    %div3A_1662 = arith.divf %mul3A_1657, %div3A_1661 : vector<16x256xf32>
    %add3A_1663 = arith.addf %div3A_1656, %div3A_1662 : vector<16x256xf32>
    %mul3A_1664 = arith.mulf %add3A_1638, %add3A_1638 : vector<16x256xf32>
    %mul3A_1665 = arith.mulf %get3A_1650, %get3A_1650 : f32
    %add3A_1666 = arith.constant 9.99999997E-7 : f32
    %add3A_1667 = arith.addf %mul3A_1665, %add3A_1666 : f32
    %div3A_1668 = vector.broadcast %add3A_1667 : f32 to vector<16x256xf32>
    %div3A_1669 = arith.divf %mul3A_1664, %div3A_1668 : vector<16x256xf32>
    %add3A_1670 = arith.addf %add3A_1663, %div3A_1669 : vector<16x256xf32>
    %mul3A_1671 = arith.constant -5.000000e-01 : f32
    %mul3A_1672 = vector.broadcast %mul3A_1671 : f32 to vector<16x256xf32>
    %mul3A_1673 = arith.mulf %mul3A_1672, %add3A_1670 : vector<16x256xf32>
    %exp3A_1674 = math.exp %mul3A_1673 : vector<16x256xf32>
    %reduce_sum3A_1675 = arith.constant dense<0.000000e+00> : vector<256xf32>
    %reduce_sum3A_1676 = vector.multi_reduction <add>, %exp3A_1674, %reduce_sum3A_1675 [0] : vector<16x256xf32> to vector<256xf32>
    %broadcast_in_dim3A_1677 = vector.shape_cast %reduce_sum3A_1676 : vector<256xf32> to vector<1x256xf32>
    %mul3A_1678 = arith.constant 6.250000e-02 : f32
    %mul3A_1679 = vector.broadcast %mul3A_1678 : f32 to vector<1x256xf32>
    %mul3A_1680 = arith.mulf %broadcast_in_dim3A_1677, %mul3A_1679 : vector<1x256xf32>
    %slice3A_1681 = vector.extract_strided_slice %get3A_32 {offsets = [12, 0], sizes = [1, 512], strides = [1, 1]} : vector<16x512xf32> to vector<1x512xf32>
    %slice3A_1682 = vector.extract_strided_slice %get3A_37 {offsets = [12, 0], sizes = [1, 512], strides = [1, 1]} : vector<16x512xf32> to vector<1x512xf32>
    %slice3A_1683 = vector.extract_strided_slice %get3A_42 {offsets = [12, 0], sizes = [1, 512], strides = [1, 1]} : vector<16x512xf32> to vector<1x512xf32>
    %get3A_1684 = arith.constant 4 : index
    %get3A_1685 = arith.constant 0 : index
    %get3A_1686 = vector.load %arg5[%get3A_1684, %get3A_1685] : memref<8x16xf32, #tpu.memory_space<vmem>>, vector<1x1xf32>
    %get3A_1687 = vector.extract %get3A_1686[0, 0] : f32 from vector<1x1xf32>
    %get3A_1688 = arith.constant 5 : index
    %get3A_1689 = arith.constant 0 : index
    %get3A_1690 = vector.load %arg5[%get3A_1688, %get3A_1689] : memref<8x16xf32, #tpu.memory_space<vmem>>, vector<1x1xf32>
    %get3A_1691 = vector.extract %get3A_1690[0, 0] : f32 from vector<1x1xf32>
    %get3A_1692 = arith.constant 6 : index
    %get3A_1693 = arith.constant 0 : index
    %get3A_1694 = vector.load %arg5[%get3A_1692, %get3A_1693] : memref<8x16xf32, #tpu.memory_space<vmem>>, vector<1x1xf32>
    %get3A_1695 = vector.extract %get3A_1694[0, 0] : f32 from vector<1x1xf32>
    %mul3A_1696 = arith.mulf %slice3A_1681, %slice3A_1681 : vector<1x512xf32>
    %mul3A_1697 = arith.mulf %get3A_1687, %get3A_1687 : f32
    %add3A_1698 = arith.constant 9.99999997E-7 : f32
    %add3A_1699 = arith.addf %mul3A_1697, %add3A_1698 : f32
    %div3A_1700 = vector.broadcast %add3A_1699 : f32 to vector<1x512xf32>
    %div3A_1701 = arith.divf %mul3A_1696, %div3A_1700 : vector<1x512xf32>
    %mul3A_1702 = arith.mulf %slice3A_1682, %slice3A_1682 : vector<1x512xf32>
    %mul3A_1703 = arith.mulf %get3A_1691, %get3A_1691 : f32
    %add3A_1704 = arith.constant 9.99999997E-7 : f32
    %add3A_1705 = arith.addf %mul3A_1703, %add3A_1704 : f32
    %div3A_1706 = vector.broadcast %add3A_1705 : f32 to vector<1x512xf32>
    %div3A_1707 = arith.divf %mul3A_1702, %div3A_1706 : vector<1x512xf32>
    %add3A_1708 = arith.addf %div3A_1701, %div3A_1707 : vector<1x512xf32>
    %mul3A_1709 = arith.mulf %slice3A_1683, %slice3A_1683 : vector<1x512xf32>
    %mul3A_1710 = arith.mulf %get3A_1695, %get3A_1695 : f32
    %add3A_1711 = arith.constant 9.99999997E-7 : f32
    %add3A_1712 = arith.addf %mul3A_1710, %add3A_1711 : f32
    %div3A_1713 = vector.broadcast %add3A_1712 : f32 to vector<1x512xf32>
    %div3A_1714 = arith.divf %mul3A_1709, %div3A_1713 : vector<1x512xf32>
    %add3A_1715 = arith.addf %add3A_1708, %div3A_1714 : vector<1x512xf32>
    %mul3A_1716 = arith.constant -5.000000e-01 : f32
    %mul3A_1717 = vector.broadcast %mul3A_1716 : f32 to vector<1x512xf32>
    %mul3A_1718 = arith.mulf %mul3A_1717, %add3A_1715 : vector<1x512xf32>
    %exp3A_1719 = math.exp %mul3A_1718 : vector<1x512xf32>
    %reduce_sum3A_1720 = vector.shape_cast %exp3A_1719 : vector<1x512xf32> to vector<1x1x512xf32>
    %reduce_sum3A_1721 = arith.constant dense<0.000000e+00> : vector<1xf32>
    %reduce_sum3A_1722 = vector.multi_reduction <add>, %reduce_sum3A_1720, %reduce_sum3A_1721 [1, 2] : vector<1x1x512xf32> to vector<1xf32>
    %reduce_sum3A_1723 = vector.shape_cast %reduce_sum3A_1722 : vector<1xf32> to vector<1x1x1xf32>
    %reduce_sum3A_1724 = vector.extract %reduce_sum3A_1723[0, 0, 0] : f32 from vector<1x1x1xf32>
    %mul3A_1725 = arith.constant 0.001953125 : f32
    %mul3A_1726 = arith.mulf %reduce_sum3A_1724, %mul3A_1725 : f32
    %sub3A_1727 = vector.broadcast %mul3A_1726 : f32 to vector<1x256xf32>
    %sub3A_1728 = arith.subf %mul3A_1680, %sub3A_1727 : vector<1x256xf32>
    %get3A_1729 = arith.constant 13 : index
    %get3A_1730 = arith.constant 0 : index
    %get3A_1731 = vector.load %arg4[%get3A_1729, %get3A_1730] : memref<16x9xf32, #tpu.memory_space<vmem>>, vector<1x1xf32>
    %get3A_1732 = vector.extract %get3A_1731[0, 0] : f32 from vector<1x1xf32>
    %mul3A_1733 = vector.broadcast %get3A_1732 : f32 to vector<16x256xf32>
    %mul3A_1734 = arith.mulf %mul3A_1733, %sub3A_23 : vector<16x256xf32>
    %get3A_1735 = arith.constant 13 : index
    %get3A_1736 = arith.constant 1 : index
    %get3A_1737 = vector.load %arg4[%get3A_1735, %get3A_1736] : memref<16x9xf32, #tpu.memory_space<vmem>>, vector<1x1xf32>
    %get3A_1738 = vector.extract %get3A_1737[0, 0] : f32 from vector<1x1xf32>
    %mul3A_1739 = vector.broadcast %get3A_1738 : f32 to vector<16x256xf32>
    %mul3A_1740 = arith.mulf %mul3A_1739, %sub3A_25 : vector<16x256xf32>
    %add3A_1741 = arith.addf %mul3A_1734, %mul3A_1740 : vector<16x256xf32>
    %get3A_1742 = arith.constant 13 : index
    %get3A_1743 = arith.constant 2 : index
    %get3A_1744 = vector.load %arg4[%get3A_1742, %get3A_1743] : memref<16x9xf32, #tpu.memory_space<vmem>>, vector<1x1xf32>
    %get3A_1745 = vector.extract %get3A_1744[0, 0] : f32 from vector<1x1xf32>
    %mul3A_1746 = vector.broadcast %get3A_1745 : f32 to vector<16x256xf32>
    %mul3A_1747 = arith.mulf %mul3A_1746, %sub3A_27 : vector<16x256xf32>
    %add3A_1748 = arith.addf %add3A_1741, %mul3A_1747 : vector<16x256xf32>
    %get3A_1749 = arith.constant 13 : index
    %get3A_1750 = arith.constant 3 : index
    %get3A_1751 = vector.load %arg4[%get3A_1749, %get3A_1750] : memref<16x9xf32, #tpu.memory_space<vmem>>, vector<1x1xf32>
    %get3A_1752 = vector.extract %get3A_1751[0, 0] : f32 from vector<1x1xf32>
    %mul3A_1753 = vector.broadcast %get3A_1752 : f32 to vector<16x256xf32>
    %mul3A_1754 = arith.mulf %mul3A_1753, %sub3A_23 : vector<16x256xf32>
    %get3A_1755 = arith.constant 13 : index
    %get3A_1756 = arith.constant 4 : index
    %get3A_1757 = vector.load %arg4[%get3A_1755, %get3A_1756] : memref<16x9xf32, #tpu.memory_space<vmem>>, vector<1x1xf32>
    %get3A_1758 = vector.extract %get3A_1757[0, 0] : f32 from vector<1x1xf32>
    %mul3A_1759 = vector.broadcast %get3A_1758 : f32 to vector<16x256xf32>
    %mul3A_1760 = arith.mulf %mul3A_1759, %sub3A_25 : vector<16x256xf32>
    %add3A_1761 = arith.addf %mul3A_1754, %mul3A_1760 : vector<16x256xf32>
    %get3A_1762 = arith.constant 13 : index
    %get3A_1763 = arith.constant 5 : index
    %get3A_1764 = vector.load %arg4[%get3A_1762, %get3A_1763] : memref<16x9xf32, #tpu.memory_space<vmem>>, vector<1x1xf32>
    %get3A_1765 = vector.extract %get3A_1764[0, 0] : f32 from vector<1x1xf32>
    %mul3A_1766 = vector.broadcast %get3A_1765 : f32 to vector<16x256xf32>
    %mul3A_1767 = arith.mulf %mul3A_1766, %sub3A_27 : vector<16x256xf32>
    %add3A_1768 = arith.addf %add3A_1761, %mul3A_1767 : vector<16x256xf32>
    %get3A_1769 = arith.constant 13 : index
    %get3A_1770 = arith.constant 6 : index
    %get3A_1771 = vector.load %arg4[%get3A_1769, %get3A_1770] : memref<16x9xf32, #tpu.memory_space<vmem>>, vector<1x1xf32>
    %get3A_1772 = vector.extract %get3A_1771[0, 0] : f32 from vector<1x1xf32>
    %mul3A_1773 = vector.broadcast %get3A_1772 : f32 to vector<16x256xf32>
    %mul3A_1774 = arith.mulf %mul3A_1773, %sub3A_23 : vector<16x256xf32>
    %get3A_1775 = arith.constant 13 : index
    %get3A_1776 = arith.constant 7 : index
    %get3A_1777 = vector.load %arg4[%get3A_1775, %get3A_1776] : memref<16x9xf32, #tpu.memory_space<vmem>>, vector<1x1xf32>
    %get3A_1778 = vector.extract %get3A_1777[0, 0] : f32 from vector<1x1xf32>
    %mul3A_1779 = vector.broadcast %get3A_1778 : f32 to vector<16x256xf32>
    %mul3A_1780 = arith.mulf %mul3A_1779, %sub3A_25 : vector<16x256xf32>
    %add3A_1781 = arith.addf %mul3A_1774, %mul3A_1780 : vector<16x256xf32>
    %get3A_1782 = arith.constant 13 : index
    %get3A_1783 = arith.constant 8 : index
    %get3A_1784 = vector.load %arg4[%get3A_1782, %get3A_1783] : memref<16x9xf32, #tpu.memory_space<vmem>>, vector<1x1xf32>
    %get3A_1785 = vector.extract %get3A_1784[0, 0] : f32 from vector<1x1xf32>
    %mul3A_1786 = vector.broadcast %get3A_1785 : f32 to vector<16x256xf32>
    %mul3A_1787 = arith.mulf %mul3A_1786, %sub3A_27 : vector<16x256xf32>
    %add3A_1788 = arith.addf %add3A_1781, %mul3A_1787 : vector<16x256xf32>
    %get3A_1789 = arith.constant 4 : index
    %get3A_1790 = arith.constant 1 : index
    %get3A_1791 = vector.load %arg5[%get3A_1789, %get3A_1790] : memref<8x16xf32, #tpu.memory_space<vmem>>, vector<1x1xf32>
    %get3A_1792 = vector.extract %get3A_1791[0, 0] : f32 from vector<1x1xf32>
    %get3A_1793 = arith.constant 5 : index
    %get3A_1794 = arith.constant 1 : index
    %get3A_1795 = vector.load %arg5[%get3A_1793, %get3A_1794] : memref<8x16xf32, #tpu.memory_space<vmem>>, vector<1x1xf32>
    %get3A_1796 = vector.extract %get3A_1795[0, 0] : f32 from vector<1x1xf32>
    %get3A_1797 = arith.constant 6 : index
    %get3A_1798 = arith.constant 1 : index
    %get3A_1799 = vector.load %arg5[%get3A_1797, %get3A_1798] : memref<8x16xf32, #tpu.memory_space<vmem>>, vector<1x1xf32>
    %get3A_1800 = vector.extract %get3A_1799[0, 0] : f32 from vector<1x1xf32>
    %mul3A_1801 = arith.mulf %add3A_1748, %add3A_1748 : vector<16x256xf32>
    %mul3A_1802 = arith.mulf %get3A_1792, %get3A_1792 : f32
    %add3A_1803 = arith.constant 9.99999997E-7 : f32
    %add3A_1804 = arith.addf %mul3A_1802, %add3A_1803 : f32
    %div3A_1805 = vector.broadcast %add3A_1804 : f32 to vector<16x256xf32>
    %div3A_1806 = arith.divf %mul3A_1801, %div3A_1805 : vector<16x256xf32>
    %mul3A_1807 = arith.mulf %add3A_1768, %add3A_1768 : vector<16x256xf32>
    %mul3A_1808 = arith.mulf %get3A_1796, %get3A_1796 : f32
    %add3A_1809 = arith.constant 9.99999997E-7 : f32
    %add3A_1810 = arith.addf %mul3A_1808, %add3A_1809 : f32
    %div3A_1811 = vector.broadcast %add3A_1810 : f32 to vector<16x256xf32>
    %div3A_1812 = arith.divf %mul3A_1807, %div3A_1811 : vector<16x256xf32>
    %add3A_1813 = arith.addf %div3A_1806, %div3A_1812 : vector<16x256xf32>
    %mul3A_1814 = arith.mulf %add3A_1788, %add3A_1788 : vector<16x256xf32>
    %mul3A_1815 = arith.mulf %get3A_1800, %get3A_1800 : f32
    %add3A_1816 = arith.constant 9.99999997E-7 : f32
    %add3A_1817 = arith.addf %mul3A_1815, %add3A_1816 : f32
    %div3A_1818 = vector.broadcast %add3A_1817 : f32 to vector<16x256xf32>
    %div3A_1819 = arith.divf %mul3A_1814, %div3A_1818 : vector<16x256xf32>
    %add3A_1820 = arith.addf %add3A_1813, %div3A_1819 : vector<16x256xf32>
    %mul3A_1821 = arith.constant -5.000000e-01 : f32
    %mul3A_1822 = vector.broadcast %mul3A_1821 : f32 to vector<16x256xf32>
    %mul3A_1823 = arith.mulf %mul3A_1822, %add3A_1820 : vector<16x256xf32>
    %exp3A_1824 = math.exp %mul3A_1823 : vector<16x256xf32>
    %reduce_sum3A_1825 = arith.constant dense<0.000000e+00> : vector<256xf32>
    %reduce_sum3A_1826 = vector.multi_reduction <add>, %exp3A_1824, %reduce_sum3A_1825 [0] : vector<16x256xf32> to vector<256xf32>
    %broadcast_in_dim3A_1827 = vector.shape_cast %reduce_sum3A_1826 : vector<256xf32> to vector<1x256xf32>
    %mul3A_1828 = arith.constant 6.250000e-02 : f32
    %mul3A_1829 = vector.broadcast %mul3A_1828 : f32 to vector<1x256xf32>
    %mul3A_1830 = arith.mulf %broadcast_in_dim3A_1827, %mul3A_1829 : vector<1x256xf32>
    %slice3A_1831 = vector.extract_strided_slice %get3A_32 {offsets = [13, 0], sizes = [1, 512], strides = [1, 1]} : vector<16x512xf32> to vector<1x512xf32>
    %slice3A_1832 = vector.extract_strided_slice %get3A_37 {offsets = [13, 0], sizes = [1, 512], strides = [1, 1]} : vector<16x512xf32> to vector<1x512xf32>
    %slice3A_1833 = vector.extract_strided_slice %get3A_42 {offsets = [13, 0], sizes = [1, 512], strides = [1, 1]} : vector<16x512xf32> to vector<1x512xf32>
    %get3A_1834 = arith.constant 4 : index
    %get3A_1835 = arith.constant 1 : index
    %get3A_1836 = vector.load %arg5[%get3A_1834, %get3A_1835] : memref<8x16xf32, #tpu.memory_space<vmem>>, vector<1x1xf32>
    %get3A_1837 = vector.extract %get3A_1836[0, 0] : f32 from vector<1x1xf32>
    %get3A_1838 = arith.constant 5 : index
    %get3A_1839 = arith.constant 1 : index
    %get3A_1840 = vector.load %arg5[%get3A_1838, %get3A_1839] : memref<8x16xf32, #tpu.memory_space<vmem>>, vector<1x1xf32>
    %get3A_1841 = vector.extract %get3A_1840[0, 0] : f32 from vector<1x1xf32>
    %get3A_1842 = arith.constant 6 : index
    %get3A_1843 = arith.constant 1 : index
    %get3A_1844 = vector.load %arg5[%get3A_1842, %get3A_1843] : memref<8x16xf32, #tpu.memory_space<vmem>>, vector<1x1xf32>
    %get3A_1845 = vector.extract %get3A_1844[0, 0] : f32 from vector<1x1xf32>
    %mul3A_1846 = arith.mulf %slice3A_1831, %slice3A_1831 : vector<1x512xf32>
    %mul3A_1847 = arith.mulf %get3A_1837, %get3A_1837 : f32
    %add3A_1848 = arith.constant 9.99999997E-7 : f32
    %add3A_1849 = arith.addf %mul3A_1847, %add3A_1848 : f32
    %div3A_1850 = vector.broadcast %add3A_1849 : f32 to vector<1x512xf32>
    %div3A_1851 = arith.divf %mul3A_1846, %div3A_1850 : vector<1x512xf32>
    %mul3A_1852 = arith.mulf %slice3A_1832, %slice3A_1832 : vector<1x512xf32>
    %mul3A_1853 = arith.mulf %get3A_1841, %get3A_1841 : f32
    %add3A_1854 = arith.constant 9.99999997E-7 : f32
    %add3A_1855 = arith.addf %mul3A_1853, %add3A_1854 : f32
    %div3A_1856 = vector.broadcast %add3A_1855 : f32 to vector<1x512xf32>
    %div3A_1857 = arith.divf %mul3A_1852, %div3A_1856 : vector<1x512xf32>
    %add3A_1858 = arith.addf %div3A_1851, %div3A_1857 : vector<1x512xf32>
    %mul3A_1859 = arith.mulf %slice3A_1833, %slice3A_1833 : vector<1x512xf32>
    %mul3A_1860 = arith.mulf %get3A_1845, %get3A_1845 : f32
    %add3A_1861 = arith.constant 9.99999997E-7 : f32
    %add3A_1862 = arith.addf %mul3A_1860, %add3A_1861 : f32
    %div3A_1863 = vector.broadcast %add3A_1862 : f32 to vector<1x512xf32>
    %div3A_1864 = arith.divf %mul3A_1859, %div3A_1863 : vector<1x512xf32>
    %add3A_1865 = arith.addf %add3A_1858, %div3A_1864 : vector<1x512xf32>
    %mul3A_1866 = arith.constant -5.000000e-01 : f32
    %mul3A_1867 = vector.broadcast %mul3A_1866 : f32 to vector<1x512xf32>
    %mul3A_1868 = arith.mulf %mul3A_1867, %add3A_1865 : vector<1x512xf32>
    %exp3A_1869 = math.exp %mul3A_1868 : vector<1x512xf32>
    %reduce_sum3A_1870 = vector.shape_cast %exp3A_1869 : vector<1x512xf32> to vector<1x1x512xf32>
    %reduce_sum3A_1871 = arith.constant dense<0.000000e+00> : vector<1xf32>
    %reduce_sum3A_1872 = vector.multi_reduction <add>, %reduce_sum3A_1870, %reduce_sum3A_1871 [1, 2] : vector<1x1x512xf32> to vector<1xf32>
    %reduce_sum3A_1873 = vector.shape_cast %reduce_sum3A_1872 : vector<1xf32> to vector<1x1x1xf32>
    %reduce_sum3A_1874 = vector.extract %reduce_sum3A_1873[0, 0, 0] : f32 from vector<1x1x1xf32>
    %mul3A_1875 = arith.constant 0.001953125 : f32
    %mul3A_1876 = arith.mulf %reduce_sum3A_1874, %mul3A_1875 : f32
    %sub3A_1877 = vector.broadcast %mul3A_1876 : f32 to vector<1x256xf32>
    %sub3A_1878 = arith.subf %mul3A_1830, %sub3A_1877 : vector<1x256xf32>
    %get3A_1879 = arith.constant 14 : index
    %get3A_1880 = arith.constant 0 : index
    %get3A_1881 = vector.load %arg4[%get3A_1879, %get3A_1880] : memref<16x9xf32, #tpu.memory_space<vmem>>, vector<1x1xf32>
    %get3A_1882 = vector.extract %get3A_1881[0, 0] : f32 from vector<1x1xf32>
    %mul3A_1883 = vector.broadcast %get3A_1882 : f32 to vector<16x256xf32>
    %mul3A_1884 = arith.mulf %mul3A_1883, %sub3A_23 : vector<16x256xf32>
    %get3A_1885 = arith.constant 14 : index
    %get3A_1886 = arith.constant 1 : index
    %get3A_1887 = vector.load %arg4[%get3A_1885, %get3A_1886] : memref<16x9xf32, #tpu.memory_space<vmem>>, vector<1x1xf32>
    %get3A_1888 = vector.extract %get3A_1887[0, 0] : f32 from vector<1x1xf32>
    %mul3A_1889 = vector.broadcast %get3A_1888 : f32 to vector<16x256xf32>
    %mul3A_1890 = arith.mulf %mul3A_1889, %sub3A_25 : vector<16x256xf32>
    %add3A_1891 = arith.addf %mul3A_1884, %mul3A_1890 : vector<16x256xf32>
    %get3A_1892 = arith.constant 14 : index
    %get3A_1893 = arith.constant 2 : index
    %get3A_1894 = vector.load %arg4[%get3A_1892, %get3A_1893] : memref<16x9xf32, #tpu.memory_space<vmem>>, vector<1x1xf32>
    %get3A_1895 = vector.extract %get3A_1894[0, 0] : f32 from vector<1x1xf32>
    %mul3A_1896 = vector.broadcast %get3A_1895 : f32 to vector<16x256xf32>
    %mul3A_1897 = arith.mulf %mul3A_1896, %sub3A_27 : vector<16x256xf32>
    %add3A_1898 = arith.addf %add3A_1891, %mul3A_1897 : vector<16x256xf32>
    %get3A_1899 = arith.constant 14 : index
    %get3A_1900 = arith.constant 3 : index
    %get3A_1901 = vector.load %arg4[%get3A_1899, %get3A_1900] : memref<16x9xf32, #tpu.memory_space<vmem>>, vector<1x1xf32>
    %get3A_1902 = vector.extract %get3A_1901[0, 0] : f32 from vector<1x1xf32>
    %mul3A_1903 = vector.broadcast %get3A_1902 : f32 to vector<16x256xf32>
    %mul3A_1904 = arith.mulf %mul3A_1903, %sub3A_23 : vector<16x256xf32>
    %get3A_1905 = arith.constant 14 : index
    %get3A_1906 = arith.constant 4 : index
    %get3A_1907 = vector.load %arg4[%get3A_1905, %get3A_1906] : memref<16x9xf32, #tpu.memory_space<vmem>>, vector<1x1xf32>
    %get3A_1908 = vector.extract %get3A_1907[0, 0] : f32 from vector<1x1xf32>
    %mul3A_1909 = vector.broadcast %get3A_1908 : f32 to vector<16x256xf32>
    %mul3A_1910 = arith.mulf %mul3A_1909, %sub3A_25 : vector<16x256xf32>
    %add3A_1911 = arith.addf %mul3A_1904, %mul3A_1910 : vector<16x256xf32>
    %get3A_1912 = arith.constant 14 : index
    %get3A_1913 = arith.constant 5 : index
    %get3A_1914 = vector.load %arg4[%get3A_1912, %get3A_1913] : memref<16x9xf32, #tpu.memory_space<vmem>>, vector<1x1xf32>
    %get3A_1915 = vector.extract %get3A_1914[0, 0] : f32 from vector<1x1xf32>
    %mul3A_1916 = vector.broadcast %get3A_1915 : f32 to vector<16x256xf32>
    %mul3A_1917 = arith.mulf %mul3A_1916, %sub3A_27 : vector<16x256xf32>
    %add3A_1918 = arith.addf %add3A_1911, %mul3A_1917 : vector<16x256xf32>
    %get3A_1919 = arith.constant 14 : index
    %get3A_1920 = arith.constant 6 : index
    %get3A_1921 = vector.load %arg4[%get3A_1919, %get3A_1920] : memref<16x9xf32, #tpu.memory_space<vmem>>, vector<1x1xf32>
    %get3A_1922 = vector.extract %get3A_1921[0, 0] : f32 from vector<1x1xf32>
    %mul3A_1923 = vector.broadcast %get3A_1922 : f32 to vector<16x256xf32>
    %mul3A_1924 = arith.mulf %mul3A_1923, %sub3A_23 : vector<16x256xf32>
    %get3A_1925 = arith.constant 14 : index
    %get3A_1926 = arith.constant 7 : index
    %get3A_1927 = vector.load %arg4[%get3A_1925, %get3A_1926] : memref<16x9xf32, #tpu.memory_space<vmem>>, vector<1x1xf32>
    %get3A_1928 = vector.extract %get3A_1927[0, 0] : f32 from vector<1x1xf32>
    %mul3A_1929 = vector.broadcast %get3A_1928 : f32 to vector<16x256xf32>
    %mul3A_1930 = arith.mulf %mul3A_1929, %sub3A_25 : vector<16x256xf32>
    %add3A_1931 = arith.addf %mul3A_1924, %mul3A_1930 : vector<16x256xf32>
    %get3A_1932 = arith.constant 14 : index
    %get3A_1933 = arith.constant 8 : index
    %get3A_1934 = vector.load %arg4[%get3A_1932, %get3A_1933] : memref<16x9xf32, #tpu.memory_space<vmem>>, vector<1x1xf32>
    %get3A_1935 = vector.extract %get3A_1934[0, 0] : f32 from vector<1x1xf32>
    %mul3A_1936 = vector.broadcast %get3A_1935 : f32 to vector<16x256xf32>
    %mul3A_1937 = arith.mulf %mul3A_1936, %sub3A_27 : vector<16x256xf32>
    %add3A_1938 = arith.addf %add3A_1931, %mul3A_1937 : vector<16x256xf32>
    %get3A_1939 = arith.constant 4 : index
    %get3A_1940 = arith.constant 2 : index
    %get3A_1941 = vector.load %arg5[%get3A_1939, %get3A_1940] : memref<8x16xf32, #tpu.memory_space<vmem>>, vector<1x1xf32>
    %get3A_1942 = vector.extract %get3A_1941[0, 0] : f32 from vector<1x1xf32>
    %get3A_1943 = arith.constant 5 : index
    %get3A_1944 = arith.constant 2 : index
    %get3A_1945 = vector.load %arg5[%get3A_1943, %get3A_1944] : memref<8x16xf32, #tpu.memory_space<vmem>>, vector<1x1xf32>
    %get3A_1946 = vector.extract %get3A_1945[0, 0] : f32 from vector<1x1xf32>
    %get3A_1947 = arith.constant 6 : index
    %get3A_1948 = arith.constant 2 : index
    %get3A_1949 = vector.load %arg5[%get3A_1947, %get3A_1948] : memref<8x16xf32, #tpu.memory_space<vmem>>, vector<1x1xf32>
    %get3A_1950 = vector.extract %get3A_1949[0, 0] : f32 from vector<1x1xf32>
    %mul3A_1951 = arith.mulf %add3A_1898, %add3A_1898 : vector<16x256xf32>
    %mul3A_1952 = arith.mulf %get3A_1942, %get3A_1942 : f32
    %add3A_1953 = arith.constant 9.99999997E-7 : f32
    %add3A_1954 = arith.addf %mul3A_1952, %add3A_1953 : f32
    %div3A_1955 = vector.broadcast %add3A_1954 : f32 to vector<16x256xf32>
    %div3A_1956 = arith.divf %mul3A_1951, %div3A_1955 : vector<16x256xf32>
    %mul3A_1957 = arith.mulf %add3A_1918, %add3A_1918 : vector<16x256xf32>
    %mul3A_1958 = arith.mulf %get3A_1946, %get3A_1946 : f32
    %add3A_1959 = arith.constant 9.99999997E-7 : f32
    %add3A_1960 = arith.addf %mul3A_1958, %add3A_1959 : f32
    %div3A_1961 = vector.broadcast %add3A_1960 : f32 to vector<16x256xf32>
    %div3A_1962 = arith.divf %mul3A_1957, %div3A_1961 : vector<16x256xf32>
    %add3A_1963 = arith.addf %div3A_1956, %div3A_1962 : vector<16x256xf32>
    %mul3A_1964 = arith.mulf %add3A_1938, %add3A_1938 : vector<16x256xf32>
    %mul3A_1965 = arith.mulf %get3A_1950, %get3A_1950 : f32
    %add3A_1966 = arith.constant 9.99999997E-7 : f32
    %add3A_1967 = arith.addf %mul3A_1965, %add3A_1966 : f32
    %div3A_1968 = vector.broadcast %add3A_1967 : f32 to vector<16x256xf32>
    %div3A_1969 = arith.divf %mul3A_1964, %div3A_1968 : vector<16x256xf32>
    %add3A_1970 = arith.addf %add3A_1963, %div3A_1969 : vector<16x256xf32>
    %mul3A_1971 = arith.constant -5.000000e-01 : f32
    %mul3A_1972 = vector.broadcast %mul3A_1971 : f32 to vector<16x256xf32>
    %mul3A_1973 = arith.mulf %mul3A_1972, %add3A_1970 : vector<16x256xf32>
    %exp3A_1974 = math.exp %mul3A_1973 : vector<16x256xf32>
    %reduce_sum3A_1975 = arith.constant dense<0.000000e+00> : vector<256xf32>
    %reduce_sum3A_1976 = vector.multi_reduction <add>, %exp3A_1974, %reduce_sum3A_1975 [0] : vector<16x256xf32> to vector<256xf32>
    %broadcast_in_dim3A_1977 = vector.shape_cast %reduce_sum3A_1976 : vector<256xf32> to vector<1x256xf32>
    %mul3A_1978 = arith.constant 6.250000e-02 : f32
    %mul3A_1979 = vector.broadcast %mul3A_1978 : f32 to vector<1x256xf32>
    %mul3A_1980 = arith.mulf %broadcast_in_dim3A_1977, %mul3A_1979 : vector<1x256xf32>
    %slice3A_1981 = vector.extract_strided_slice %get3A_32 {offsets = [14, 0], sizes = [1, 512], strides = [1, 1]} : vector<16x512xf32> to vector<1x512xf32>
    %slice3A_1982 = vector.extract_strided_slice %get3A_37 {offsets = [14, 0], sizes = [1, 512], strides = [1, 1]} : vector<16x512xf32> to vector<1x512xf32>
    %slice3A_1983 = vector.extract_strided_slice %get3A_42 {offsets = [14, 0], sizes = [1, 512], strides = [1, 1]} : vector<16x512xf32> to vector<1x512xf32>
    %get3A_1984 = arith.constant 4 : index
    %get3A_1985 = arith.constant 2 : index
    %get3A_1986 = vector.load %arg5[%get3A_1984, %get3A_1985] : memref<8x16xf32, #tpu.memory_space<vmem>>, vector<1x1xf32>
    %get3A_1987 = vector.extract %get3A_1986[0, 0] : f32 from vector<1x1xf32>
    %get3A_1988 = arith.constant 5 : index
    %get3A_1989 = arith.constant 2 : index
    %get3A_1990 = vector.load %arg5[%get3A_1988, %get3A_1989] : memref<8x16xf32, #tpu.memory_space<vmem>>, vector<1x1xf32>
    %get3A_1991 = vector.extract %get3A_1990[0, 0] : f32 from vector<1x1xf32>
    %get3A_1992 = arith.constant 6 : index
    %get3A_1993 = arith.constant 2 : index
    %get3A_1994 = vector.load %arg5[%get3A_1992, %get3A_1993] : memref<8x16xf32, #tpu.memory_space<vmem>>, vector<1x1xf32>
    %get3A_1995 = vector.extract %get3A_1994[0, 0] : f32 from vector<1x1xf32>
    %mul3A_1996 = arith.mulf %slice3A_1981, %slice3A_1981 : vector<1x512xf32>
    %mul3A_1997 = arith.mulf %get3A_1987, %get3A_1987 : f32
    %add3A_1998 = arith.constant 9.99999997E-7 : f32
    %add3A_1999 = arith.addf %mul3A_1997, %add3A_1998 : f32
    %div3A_2000 = vector.broadcast %add3A_1999 : f32 to vector<1x512xf32>
    %div3A_2001 = arith.divf %mul3A_1996, %div3A_2000 : vector<1x512xf32>
    %mul3A_2002 = arith.mulf %slice3A_1982, %slice3A_1982 : vector<1x512xf32>
    %mul3A_2003 = arith.mulf %get3A_1991, %get3A_1991 : f32
    %add3A_2004 = arith.constant 9.99999997E-7 : f32
    %add3A_2005 = arith.addf %mul3A_2003, %add3A_2004 : f32
    %div3A_2006 = vector.broadcast %add3A_2005 : f32 to vector<1x512xf32>
    %div3A_2007 = arith.divf %mul3A_2002, %div3A_2006 : vector<1x512xf32>
    %add3A_2008 = arith.addf %div3A_2001, %div3A_2007 : vector<1x512xf32>
    %mul3A_2009 = arith.mulf %slice3A_1983, %slice3A_1983 : vector<1x512xf32>
    %mul3A_2010 = arith.mulf %get3A_1995, %get3A_1995 : f32
    %add3A_2011 = arith.constant 9.99999997E-7 : f32
    %add3A_2012 = arith.addf %mul3A_2010, %add3A_2011 : f32
    %div3A_2013 = vector.broadcast %add3A_2012 : f32 to vector<1x512xf32>
    %div3A_2014 = arith.divf %mul3A_2009, %div3A_2013 : vector<1x512xf32>
    %add3A_2015 = arith.addf %add3A_2008, %div3A_2014 : vector<1x512xf32>
    %mul3A_2016 = arith.constant -5.000000e-01 : f32
    %mul3A_2017 = vector.broadcast %mul3A_2016 : f32 to vector<1x512xf32>
    %mul3A_2018 = arith.mulf %mul3A_2017, %add3A_2015 : vector<1x512xf32>
    %exp3A_2019 = math.exp %mul3A_2018 : vector<1x512xf32>
    %reduce_sum3A_2020 = vector.shape_cast %exp3A_2019 : vector<1x512xf32> to vector<1x1x512xf32>
    %reduce_sum3A_2021 = arith.constant dense<0.000000e+00> : vector<1xf32>
    %reduce_sum3A_2022 = vector.multi_reduction <add>, %reduce_sum3A_2020, %reduce_sum3A_2021 [1, 2] : vector<1x1x512xf32> to vector<1xf32>
    %reduce_sum3A_2023 = vector.shape_cast %reduce_sum3A_2022 : vector<1xf32> to vector<1x1x1xf32>
    %reduce_sum3A_2024 = vector.extract %reduce_sum3A_2023[0, 0, 0] : f32 from vector<1x1x1xf32>
    %mul3A_2025 = arith.constant 0.001953125 : f32
    %mul3A_2026 = arith.mulf %reduce_sum3A_2024, %mul3A_2025 : f32
    %sub3A_2027 = vector.broadcast %mul3A_2026 : f32 to vector<1x256xf32>
    %sub3A_2028 = arith.subf %mul3A_1980, %sub3A_2027 : vector<1x256xf32>
    %get3A_2029 = arith.constant 15 : index
    %get3A_2030 = arith.constant 0 : index
    %get3A_2031 = vector.load %arg4[%get3A_2029, %get3A_2030] : memref<16x9xf32, #tpu.memory_space<vmem>>, vector<1x1xf32>
    %get3A_2032 = vector.extract %get3A_2031[0, 0] : f32 from vector<1x1xf32>
    %mul3A_2033 = vector.broadcast %get3A_2032 : f32 to vector<16x256xf32>
    %mul3A_2034 = arith.mulf %mul3A_2033, %sub3A_23 : vector<16x256xf32>
    %get3A_2035 = arith.constant 15 : index
    %get3A_2036 = arith.constant 1 : index
    %get3A_2037 = vector.load %arg4[%get3A_2035, %get3A_2036] : memref<16x9xf32, #tpu.memory_space<vmem>>, vector<1x1xf32>
    %get3A_2038 = vector.extract %get3A_2037[0, 0] : f32 from vector<1x1xf32>
    %mul3A_2039 = vector.broadcast %get3A_2038 : f32 to vector<16x256xf32>
    %mul3A_2040 = arith.mulf %mul3A_2039, %sub3A_25 : vector<16x256xf32>
    %add3A_2041 = arith.addf %mul3A_2034, %mul3A_2040 : vector<16x256xf32>
    %get3A_2042 = arith.constant 15 : index
    %get3A_2043 = arith.constant 2 : index
    %get3A_2044 = vector.load %arg4[%get3A_2042, %get3A_2043] : memref<16x9xf32, #tpu.memory_space<vmem>>, vector<1x1xf32>
    %get3A_2045 = vector.extract %get3A_2044[0, 0] : f32 from vector<1x1xf32>
    %mul3A_2046 = vector.broadcast %get3A_2045 : f32 to vector<16x256xf32>
    %mul3A_2047 = arith.mulf %mul3A_2046, %sub3A_27 : vector<16x256xf32>
    %add3A_2048 = arith.addf %add3A_2041, %mul3A_2047 : vector<16x256xf32>
    %get3A_2049 = arith.constant 15 : index
    %get3A_2050 = arith.constant 3 : index
    %get3A_2051 = vector.load %arg4[%get3A_2049, %get3A_2050] : memref<16x9xf32, #tpu.memory_space<vmem>>, vector<1x1xf32>
    %get3A_2052 = vector.extract %get3A_2051[0, 0] : f32 from vector<1x1xf32>
    %mul3A_2053 = vector.broadcast %get3A_2052 : f32 to vector<16x256xf32>
    %mul3A_2054 = arith.mulf %mul3A_2053, %sub3A_23 : vector<16x256xf32>
    %get3A_2055 = arith.constant 15 : index
    %get3A_2056 = arith.constant 4 : index
    %get3A_2057 = vector.load %arg4[%get3A_2055, %get3A_2056] : memref<16x9xf32, #tpu.memory_space<vmem>>, vector<1x1xf32>
    %get3A_2058 = vector.extract %get3A_2057[0, 0] : f32 from vector<1x1xf32>
    %mul3A_2059 = vector.broadcast %get3A_2058 : f32 to vector<16x256xf32>
    %mul3A_2060 = arith.mulf %mul3A_2059, %sub3A_25 : vector<16x256xf32>
    %add3A_2061 = arith.addf %mul3A_2054, %mul3A_2060 : vector<16x256xf32>
    %get3A_2062 = arith.constant 15 : index
    %get3A_2063 = arith.constant 5 : index
    %get3A_2064 = vector.load %arg4[%get3A_2062, %get3A_2063] : memref<16x9xf32, #tpu.memory_space<vmem>>, vector<1x1xf32>
    %get3A_2065 = vector.extract %get3A_2064[0, 0] : f32 from vector<1x1xf32>
    %mul3A_2066 = vector.broadcast %get3A_2065 : f32 to vector<16x256xf32>
    %mul3A_2067 = arith.mulf %mul3A_2066, %sub3A_27 : vector<16x256xf32>
    %add3A_2068 = arith.addf %add3A_2061, %mul3A_2067 : vector<16x256xf32>
    %get3A_2069 = arith.constant 15 : index
    %get3A_2070 = arith.constant 6 : index
    %get3A_2071 = vector.load %arg4[%get3A_2069, %get3A_2070] : memref<16x9xf32, #tpu.memory_space<vmem>>, vector<1x1xf32>
    %get3A_2072 = vector.extract %get3A_2071[0, 0] : f32 from vector<1x1xf32>
    %mul3A_2073 = vector.broadcast %get3A_2072 : f32 to vector<16x256xf32>
    %mul3A_2074 = arith.mulf %mul3A_2073, %sub3A_23 : vector<16x256xf32>
    %get3A_2075 = arith.constant 15 : index
    %get3A_2076 = arith.constant 7 : index
    %get3A_2077 = vector.load %arg4[%get3A_2075, %get3A_2076] : memref<16x9xf32, #tpu.memory_space<vmem>>, vector<1x1xf32>
    %get3A_2078 = vector.extract %get3A_2077[0, 0] : f32 from vector<1x1xf32>
    %mul3A_2079 = vector.broadcast %get3A_2078 : f32 to vector<16x256xf32>
    %mul3A_2080 = arith.mulf %mul3A_2079, %sub3A_25 : vector<16x256xf32>
    %add3A_2081 = arith.addf %mul3A_2074, %mul3A_2080 : vector<16x256xf32>
    %get3A_2082 = arith.constant 15 : index
    %get3A_2083 = arith.constant 8 : index
    %get3A_2084 = vector.load %arg4[%get3A_2082, %get3A_2083] : memref<16x9xf32, #tpu.memory_space<vmem>>, vector<1x1xf32>
    %get3A_2085 = vector.extract %get3A_2084[0, 0] : f32 from vector<1x1xf32>
    %mul3A_2086 = vector.broadcast %get3A_2085 : f32 to vector<16x256xf32>
    %mul3A_2087 = arith.mulf %mul3A_2086, %sub3A_27 : vector<16x256xf32>
    %add3A_2088 = arith.addf %add3A_2081, %mul3A_2087 : vector<16x256xf32>
    %get3A_2089 = arith.constant 4 : index
    %get3A_2090 = arith.constant 3 : index
    %get3A_2091 = vector.load %arg5[%get3A_2089, %get3A_2090] : memref<8x16xf32, #tpu.memory_space<vmem>>, vector<1x1xf32>
    %get3A_2092 = vector.extract %get3A_2091[0, 0] : f32 from vector<1x1xf32>
    %get3A_2093 = arith.constant 5 : index
    %get3A_2094 = arith.constant 3 : index
    %get3A_2095 = vector.load %arg5[%get3A_2093, %get3A_2094] : memref<8x16xf32, #tpu.memory_space<vmem>>, vector<1x1xf32>
    %get3A_2096 = vector.extract %get3A_2095[0, 0] : f32 from vector<1x1xf32>
    %get3A_2097 = arith.constant 6 : index
    %get3A_2098 = arith.constant 3 : index
    %get3A_2099 = vector.load %arg5[%get3A_2097, %get3A_2098] : memref<8x16xf32, #tpu.memory_space<vmem>>, vector<1x1xf32>
    %get3A_2100 = vector.extract %get3A_2099[0, 0] : f32 from vector<1x1xf32>
    %mul3A_2101 = arith.mulf %add3A_2048, %add3A_2048 : vector<16x256xf32>
    %mul3A_2102 = arith.mulf %get3A_2092, %get3A_2092 : f32
    %add3A_2103 = arith.constant 9.99999997E-7 : f32
    %add3A_2104 = arith.addf %mul3A_2102, %add3A_2103 : f32
    %div3A_2105 = vector.broadcast %add3A_2104 : f32 to vector<16x256xf32>
    %div3A_2106 = arith.divf %mul3A_2101, %div3A_2105 : vector<16x256xf32>
    %mul3A_2107 = arith.mulf %add3A_2068, %add3A_2068 : vector<16x256xf32>
    %mul3A_2108 = arith.mulf %get3A_2096, %get3A_2096 : f32
    %add3A_2109 = arith.constant 9.99999997E-7 : f32
    %add3A_2110 = arith.addf %mul3A_2108, %add3A_2109 : f32
    %div3A_2111 = vector.broadcast %add3A_2110 : f32 to vector<16x256xf32>
    %div3A_2112 = arith.divf %mul3A_2107, %div3A_2111 : vector<16x256xf32>
    %add3A_2113 = arith.addf %div3A_2106, %div3A_2112 : vector<16x256xf32>
    %mul3A_2114 = arith.mulf %add3A_2088, %add3A_2088 : vector<16x256xf32>
    %mul3A_2115 = arith.mulf %get3A_2100, %get3A_2100 : f32
    %add3A_2116 = arith.constant 9.99999997E-7 : f32
    %add3A_2117 = arith.addf %mul3A_2115, %add3A_2116 : f32
    %div3A_2118 = vector.broadcast %add3A_2117 : f32 to vector<16x256xf32>
    %div3A_2119 = arith.divf %mul3A_2114, %div3A_2118 : vector<16x256xf32>
    %add3A_2120 = arith.addf %add3A_2113, %div3A_2119 : vector<16x256xf32>
    %mul3A_2121 = arith.constant -5.000000e-01 : f32
    %mul3A_2122 = vector.broadcast %mul3A_2121 : f32 to vector<16x256xf32>
    %mul3A_2123 = arith.mulf %mul3A_2122, %add3A_2120 : vector<16x256xf32>
    %exp3A_2124 = math.exp %mul3A_2123 : vector<16x256xf32>
    %reduce_sum3A_2125 = arith.constant dense<0.000000e+00> : vector<256xf32>
    %reduce_sum3A_2126 = vector.multi_reduction <add>, %exp3A_2124, %reduce_sum3A_2125 [0] : vector<16x256xf32> to vector<256xf32>
    %broadcast_in_dim3A_2127 = vector.shape_cast %reduce_sum3A_2126 : vector<256xf32> to vector<1x256xf32>
    %mul3A_2128 = arith.constant 6.250000e-02 : f32
    %mul3A_2129 = vector.broadcast %mul3A_2128 : f32 to vector<1x256xf32>
    %mul3A_2130 = arith.mulf %broadcast_in_dim3A_2127, %mul3A_2129 : vector<1x256xf32>
    %slice3A_2131 = vector.extract_strided_slice %get3A_32 {offsets = [15, 0], sizes = [1, 512], strides = [1, 1]} : vector<16x512xf32> to vector<1x512xf32>
    %slice3A_2132 = vector.extract_strided_slice %get3A_37 {offsets = [15, 0], sizes = [1, 512], strides = [1, 1]} : vector<16x512xf32> to vector<1x512xf32>
    %slice3A_2133 = vector.extract_strided_slice %get3A_42 {offsets = [15, 0], sizes = [1, 512], strides = [1, 1]} : vector<16x512xf32> to vector<1x512xf32>
    %get3A_2134 = arith.constant 4 : index
    %get3A_2135 = arith.constant 3 : index
    %get3A_2136 = vector.load %arg5[%get3A_2134, %get3A_2135] : memref<8x16xf32, #tpu.memory_space<vmem>>, vector<1x1xf32>
    %get3A_2137 = vector.extract %get3A_2136[0, 0] : f32 from vector<1x1xf32>
    %get3A_2138 = arith.constant 5 : index
    %get3A_2139 = arith.constant 3 : index
    %get3A_2140 = vector.load %arg5[%get3A_2138, %get3A_2139] : memref<8x16xf32, #tpu.memory_space<vmem>>, vector<1x1xf32>
    %get3A_2141 = vector.extract %get3A_2140[0, 0] : f32 from vector<1x1xf32>
    %get3A_2142 = arith.constant 6 : index
    %get3A_2143 = arith.constant 3 : index
    %get3A_2144 = vector.load %arg5[%get3A_2142, %get3A_2143] : memref<8x16xf32, #tpu.memory_space<vmem>>, vector<1x1xf32>
    %get3A_2145 = vector.extract %get3A_2144[0, 0] : f32 from vector<1x1xf32>
    %mul3A_2146 = arith.mulf %slice3A_2131, %slice3A_2131 : vector<1x512xf32>
    %mul3A_2147 = arith.mulf %get3A_2137, %get3A_2137 : f32
    %add3A_2148 = arith.constant 9.99999997E-7 : f32
    %add3A_2149 = arith.addf %mul3A_2147, %add3A_2148 : f32
    %div3A_2150 = vector.broadcast %add3A_2149 : f32 to vector<1x512xf32>
    %div3A_2151 = arith.divf %mul3A_2146, %div3A_2150 : vector<1x512xf32>
    %mul3A_2152 = arith.mulf %slice3A_2132, %slice3A_2132 : vector<1x512xf32>
    %mul3A_2153 = arith.mulf %get3A_2141, %get3A_2141 : f32
    %add3A_2154 = arith.constant 9.99999997E-7 : f32
    %add3A_2155 = arith.addf %mul3A_2153, %add3A_2154 : f32
    %div3A_2156 = vector.broadcast %add3A_2155 : f32 to vector<1x512xf32>
    %div3A_2157 = arith.divf %mul3A_2152, %div3A_2156 : vector<1x512xf32>
    %add3A_2158 = arith.addf %div3A_2151, %div3A_2157 : vector<1x512xf32>
    %mul3A_2159 = arith.mulf %slice3A_2133, %slice3A_2133 : vector<1x512xf32>
    %mul3A_2160 = arith.mulf %get3A_2145, %get3A_2145 : f32
    %add3A_2161 = arith.constant 9.99999997E-7 : f32
    %add3A_2162 = arith.addf %mul3A_2160, %add3A_2161 : f32
    %div3A_2163 = vector.broadcast %add3A_2162 : f32 to vector<1x512xf32>
    %div3A_2164 = arith.divf %mul3A_2159, %div3A_2163 : vector<1x512xf32>
    %add3A_2165 = arith.addf %add3A_2158, %div3A_2164 : vector<1x512xf32>
    %mul3A_2166 = arith.constant -5.000000e-01 : f32
    %mul3A_2167 = vector.broadcast %mul3A_2166 : f32 to vector<1x512xf32>
    %mul3A_2168 = arith.mulf %mul3A_2167, %add3A_2165 : vector<1x512xf32>
    %exp3A_2169 = math.exp %mul3A_2168 : vector<1x512xf32>
    %reduce_sum3A_2170 = vector.shape_cast %exp3A_2169 : vector<1x512xf32> to vector<1x1x512xf32>
    %reduce_sum3A_2171 = arith.constant dense<0.000000e+00> : vector<1xf32>
    %reduce_sum3A_2172 = vector.multi_reduction <add>, %reduce_sum3A_2170, %reduce_sum3A_2171 [1, 2] : vector<1x1x512xf32> to vector<1xf32>
    %reduce_sum3A_2173 = vector.shape_cast %reduce_sum3A_2172 : vector<1xf32> to vector<1x1x1xf32>
    %reduce_sum3A_2174 = vector.extract %reduce_sum3A_2173[0, 0, 0] : f32 from vector<1x1x1xf32>
    %mul3A_2175 = arith.constant 0.001953125 : f32
    %mul3A_2176 = arith.mulf %reduce_sum3A_2174, %mul3A_2175 : f32
    %sub3A_2177 = vector.broadcast %mul3A_2176 : f32 to vector<1x256xf32>
    %sub3A_2178 = arith.subf %mul3A_2130, %sub3A_2177 : vector<1x256xf32>
    %concatenate3A = tpu.concatenate %sub3A_127, %sub3A_220, %sub3A_313, %sub3A_406, %sub3A_548, %sub3A_694, %sub3A_840, %sub3A_986, %sub3A_1134, %sub3A_1282, %sub3A_1430, %sub3A_1578, %sub3A_1728, %sub3A_1878, %sub3A_2028, %sub3A_2178 in 0 : vector<1x256xf32>, vector<1x256xf32>, vector<1x256xf32>, vector<1x256xf32>, vector<1x256xf32>, vector<1x256xf32>, vector<1x256xf32>, vector<1x256xf32>, vector<1x256xf32>, vector<1x256xf32>, vector<1x256xf32>, vector<1x256xf32>, vector<1x256xf32>, vector<1x256xf32>, vector<1x256xf32>, vector<1x256xf32> -> vector<16x256xf32>
    %get3A_2179 = arith.constant 0 : index
    %get3A_2180 = arith.constant 0 : index
    %get3A_2181 = vector.load %arg6[%get3A_2179, %get3A_2180] : memref<16x16xf32, #tpu.memory_space<vmem>>, vector<16x16xf32>
    %reduce_max3A = arith.constant dense<0xFF800000> : vector<16xf32>
    %reduce_max3A_2182 = vector.multi_reduction <maximumf>, %get3A_2181, %reduce_max3A [0] : vector<16x16xf32> to vector<16xf32>
    %broadcast_in_dim3A_2183 = vector.shape_cast %reduce_max3A_2182 : vector<16xf32> to vector<1x16xf32>
    %sub3A_2184 = vector.broadcast %broadcast_in_dim3A_2183 : vector<1x16xf32> to vector<16x16xf32>
    %sub3A_2185 = arith.subf %get3A_2181, %sub3A_2184 : vector<16x16xf32>
    %exp3A_2186 = math.exp %sub3A_2185 : vector<16x16xf32>
    %reduce_sum3A_2187 = arith.constant dense<0.000000e+00> : vector<16xf32>
    %reduce_sum3A_2188 = vector.multi_reduction <add>, %exp3A_2186, %reduce_sum3A_2187 [0] : vector<16x16xf32> to vector<16xf32>
    %broadcast_in_dim3A_2189 = vector.shape_cast %reduce_sum3A_2188 : vector<16xf32> to vector<1x16xf32>
    %div3A_2190 = vector.broadcast %broadcast_in_dim3A_2189 : vector<1x16xf32> to vector<16x16xf32>
    %div3A_2191 = arith.divf %exp3A_2186, %div3A_2190 : vector<16x16xf32>
    %dot_general3A = arith.constant dense<0.000000e+00> : vector<256x16xf32>
    %dot_general3A_2192 = tpu.matmul %concatenate3A, %div3A_2191, %dot_general3A {dimension_numbers = #tpu.dot_dimension_numbers<[0], [0], [1], [1], [0, 1, 1, 1], [], []>, transpose_lhs_hint = false} : vector<16x256xf32>, vector<16x16xf32>, vector<256x16xf32> -> vector<256x16xf32>
    %swap3A = arith.constant 0 : index
    %swap3A_2193 = arith.constant 0 : index
    %swap3A_2194 = vector.load %arg7[%swap3A, %swap3A_2193] : memref<256x16xf32, #tpu.memory_space<vmem>>, vector<256x16xf32>
    tpu.vector_store %arg7[%swap3A, %swap3A_2193], %dot_general3A_2192 {strides = array<i32>} : memref<256x16xf32, #tpu.memory_space<vmem>>, vector<256x16xf32>,
    return
  }
  func.func @transform_0(%arg0: i32) -> (i32, i32, i32) {
    %c0_i32 = arith.constant 0 : i32
    %c0_i32_0 = arith.constant 0 : i32
    %c0_i32_1 = arith.constant 0 : i32
    return %c0_i32, %c0_i32_0, %arg0 : i32, i32, i32
  }
  func.func @transform_1(%arg0: i32) -> (i32, i32) {
    %c0_i32 = arith.constant 0 : i32
    %c0_i32_0 = arith.constant 0 : i32
    return %c0_i32, %arg0 : i32, i32
  }
  func.func @transform_2(%arg0: i32) -> (i32, i32, i32) {
    %c0_i32 = arith.constant 0 : i32
    %c0_i32_0 = arith.constant 0 : i32
    %c0_i32_1 = arith.constant 0 : i32
    %c0_i32_2 = arith.constant 0 : i32
    return %c0_i32, %c0_i32_0, %c0_i32_1 : i32, i32, i32
  }
  func.func @transform_3(%arg0: i32) -> (i32, i32) {
    %c0_i32 = arith.constant 0 : i32
    %c0_i32_0 = arith.constant 0 : i32
    %c0_i32_1 = arith.constant 0 : i32
    return %c0_i32, %c0_i32_0 : i32, i32
  }
  func.func @transform_4(%arg0: i32) -> (i32, i32) {
    %c0_i32 = arith.constant 0 : i32
    %c0_i32_0 = arith.constant 0 : i32
    %c0_i32_1 = arith.constant 0 : i32
    return %c0_i32, %c0_i32_0 : i32, i32
  }
  func.func @transform_5(%arg0: i32) -> (i32, i32) {
    %c0_i32 = arith.constant 0 : i32
    %c0_i32_0 = arith.constant 0 : i32
    %c0_i32_1 = arith.constant 0 : i32
    return %c0_i32, %c0_i32_0 : i32, i32
  }
  func.func @transform_6(%arg0: i32) -> (i32, i32) {
    %c0_i32 = arith.constant 0 : i32
    %c0_i32_0 = arith.constant 0 : i32
    return %arg0, %c0_i32 : i32, i32
  }
}

</mosaic_0001>

<sc_bundles>
// kernel: kernel.4.cloned.1.call-start
scs
__scs_entry_jumppad:
0x0: {  	(pc) =	sbr.rel $0x88, $3  }
0x1: {  	(tag) =	ssettag $0x0;
	lr =	simm.s32 $0x1  }
0x2: {  	[smem:$0x3F96] =	sst lr;
	_ =	strace $0xD0000000  }
0x3: {  	_ = 	snop  }
0x4: {  	_ = 	snop  }
0x5: {  	_ = 	snop  }
0x6: {  	_ = 	snop  }
0x7: {  	_ = 	snop  }
__scs_overlays_trampoline_lowered:
0x8: {  	[smem:$0x3FA5] =	sst s0  }
0x9: {  	[smem:$0x3FA6] =	sst s1  }
0xa: {  	[smem:$0x3FA7] =	sst s2  }
0xb: {  	[smem:$0x3FA8] =	sst s3  }
0xc: {  	[smem:$0x3FA9] =	sst s4  }
0xd: {  	[smem:$0x3FAA] =	sst s5  }
0xe: {  	[smem:$0x3FAB] =	sst s6  }
0xf: {  	[smem:$0x3FAC] =	sst s7  }
0x10: {  	[smem:$0x3FAD] =	sst s8  }
0x11: {  	[smem:$0x3FAE] =	sst s9;
	s0 =	simm.s32 @!p0 $0x0  }
0x12: {  	s1 =	sld [smem:$0x3F94];
	s0 =	simm.s32 @p0 $0x1  }
0x13: {  	[smem:$0x3FAF] =	sst s0;
	s0 =	simm.s32 @!p1 $0x0  }
0x14: {  	s2 =	sld [smem:$0x3F93];
	s0 =	simm.s32 @p1 $0x1  }
0x15: {  	[smem:$0x3FB0] =	sst s0;
	s0 =	simm.s32 @!p2 $0x0  }
0x16: {  	s3 =	sld [smem:$0x3FDB];
	s0 =	simm.s32 @p2 $0x1  }
0x17: {  	s4 =	simm.s32 $0x1BF5;
	[smem:$0x3FB2] =	sst s0  }
0x18: {  	s0 =	sld [smem:$0x3F95];
	_ =	swait.ge [sflag:s4], $0x0  }
0x19: {  	s7 =	sld [smem:$0x3F96]  }
0x1a: {  	s8 =	sadd.s32 $0xFFFFE003, lr  }
0x1b: {  	s9 =	sadd.s32 $0xFFFFFEF7, lr;
	s5 =	simm.s32 $0xFFFFFFFF;
	p2 =	slt.u32 s8, $0xFFFFF086  }
0x1c: {  	p1 =	slt.u32 s9, $0xF7A;
	s5 =	simm.s32 @!p2 $0x0  }
0x1d: {  	s5 =	simm.s32 @p1 $0x1;
	p0 =	seq.s32 s7, s2  }
0x1e: {  	s7 =	smul.u32 @!p0 $0xF7A, s2;
	p2 =	seq.s32 @!p0 s5, $0x0  }
0x1f: {  	s9 =	smul.u32 $0xF7A, s1;
	s8 =	simm.s32 @!p0 $0x1BF5;
	p2 =	por !p2, p0  }
0x20: {  	[sflag:s8] =	ssyncset.s32 @!p0 $0xFFFFF086;
	s6 =	sadd.s32 @!p0 s3, s7;
	s7 =	simm.s32 @!p0 $0x108  }
0x21: {  	s3 =	sadd.s32 s3, s9;
	s6 =	sadd.s32 @!p0 $0x88, s6;
	s7 =	simm.s32 @p2 $0x1082  }
0x22: {  	[simem:s7], [sflag:s8] =	dma.local @!p0 [hbm:s6], $0xF7A  }
0x23: {  	s9 =	sor.u32 $0xD0000000, s2;
	s6 =	simm.s32 $0x108;
	_ =	swait.ge @!p0 [sflag:s8], $0x0  }
0x24: {  	s3 =	sadd.s32 $0x88, s3;
	s6 =	simm.s32 @!p1 $0x1082;
	[sflag:s4] =	ssyncset.s32 $0xFFFFF086  }
0x25: {  	[simem:s6], [sflag:s4] =	dma.local [hbm:s3], $0xF7A  }
0x26: {  	[smem:$0x3F96] =	sst s1;
	(tag) =	ssettag s2;
	_ =	strace s9  }
0x27: {  	s1 =	sld [smem:$0x3FA6]  }
0x28: {  	s2 =	sld [smem:$0x3FA7]  }
0x29: {  	s4 =	sld [smem:$0x3FA9]  }
0x2a: {  	p0 =	seq.s32 s5, $0x0;
	s5 =	sld [smem:$0x3FAA]  }
0x2b: {  	s6 =	sld [smem:$0x3FAB]  }
0x2c: {  	s7 =	sld [smem:$0x3FAC]  }
0x2d: {  	s3 =	simm.s32 $0x108;
	s8 =	sld [smem:$0x3FAD]  }
0x2e: {  	s3 =	simm.s32 @!p0 $0x1082;
	s9 =	sld [smem:$0x3FAE]  }
0x2f: {  	lr =	sadd.s32 s0, s3;
	s0 =	sld [smem:$0x3FA5]  }
0x30: {  	s3 =	sld [smem:$0x3FA8]  }
0x31: {  	[smem:$0x3FB1] =	sst s10  }
0x32: {  	s10 =	sld [smem:$0x3FAF];
	_ =	sdelay $0x3  }
0x33: {  	p0 =	seq.s32 s10, $0x1;
	s10 =	sld [smem:$0x3FB1];
	_ =	sdelay $0x3  }
0x34: {  	[smem:$0x3FB1] =	sst s10  }
0x35: {  	s10 =	sld [smem:$0x3FB0];
	_ =	sdelay $0x3  }
0x36: {  	p1 =	seq.s32 s10, $0x1;
	s10 =	sld [smem:$0x3FB1];
	_ =	sdelay $0x3  }
0x37: {  	[smem:$0x3FB1] =	sst s10  }
0x38: {  	s10 =	sld [smem:$0x3FB2]  }
0x39: {  	_ = 	snop;
	(pc) =	sbr.ind lr, $3  }
0x3a: {  	_ = 	snop  }
0x3b: {  	_ = 	snop  }
0x3c: {  	p2 =	seq.s32 s10, $0x1;
	s10 =	sld [smem:$0x3FB1]  }
0x3d: {  	_ =	shalt  }
0x3e: {  	_ =	shalt  }
0x3f: {  	_ =	shalt  }
0x40: {  	_ =	shalt  }
0x41: {  	_ =	shalt  }
0x42: {  	_ =	shalt  }
0x43: {  	_ =	shalt  }
0x44: {  	_ =	shalt  }
0x45: {  	_ =	shalt  }
0x46: {  	_ =	shalt  }
0x47: {  	_ =	shalt  }
0x48: {  	_ =	shalt  }
0x49: {  	_ =	shalt  }
0x4a: {  	_ =	shalt  }
0x4b: {  	_ =	shalt  }
0x4c: {  	_ =	shalt  }
0x4d: {  	_ =	shalt  }
0x4e: {  	_ =	shalt  }
0x4f: {  	_ =	shalt  }
0x50: {  	_ =	shalt  }
0x51: {  	_ =	shalt  }
0x52: {  	_ =	shalt  }
0x53: {  	_ =	shalt  }
0x54: {  	_ =	shalt  }
0x55: {  	_ =	shalt  }
0x56: {  	_ =	shalt  }
0x57: {  	_ =	shalt  }
0x58: {  	_ =	shalt  }
0x59: {  	_ =	shalt  }
0x5a: {  	_ =	shalt  }
0x5b: {  	_ =	shalt  }
0x5c: {  	_ =	shalt  }
0x5d: {  	_ =	shalt  }
0x5e: {  	_ =	shalt  }
0x5f: {  	_ =	shalt  }
0x60: {  	_ =	shalt  }
0x61: {  	_ =	shalt  }
0x62: {  	_ =	shalt  }
0x63: {  	_ =	shalt  }
0x64: {  	_ =	shalt  }
0x65: {  	_ =	shalt  }
0x66: {  	_ =	shalt  }
0x67: {  	_ =	shalt  }
0x68: {  	_ =	shalt  }
0x69: {  	_ =	shalt  }
0x6a: {  	_ =	shalt  }
0x6b: {  	_ =	shalt  }
0x6c: {  	_ =	shalt  }
0x6d: {  	_ =	shalt  }
0x6e: {  	_ =	shalt  }
0x6f: {  	_ =	shalt  }
0x70: {  	_ =	shalt  }
0x71: {  	_ =	shalt  }
0x72: {  	_ =	shalt  }
0x73: {  	_ =	shalt  }
0x74: {  	_ =	shalt  }
0x75: {  	_ =	shalt  }
0x76: {  	_ =	shalt  }
0x77: {  	_ =	shalt  }
0x78: {  	_ =	shalt  }
0x79: {  	_ =	shalt  }
0x7a: {  	_ =	shalt  }
0x7b: {  	_ =	shalt  }
0x7c: {  	_ =	shalt  }
0x7d: {  	_ =	shalt  }
0x7e: {  	_ =	shalt  }
0x7f: {  	_ =	shalt  }
0x80: {  	_ =	shalt  }
0x81: {  	_ =	shalt  }
0x82: {  	_ =	shalt  }
0x83: {  	_ =	shalt  }
0x84: {  	_ =	shalt  }
0x85: {  	_ =	shalt  }
0x86: {  	_ =	shalt  }
0x87: {  	_ =	shalt  }
.Lfunc_end0:
.L_simem_size_0:
called_computation_lowered:
.L_overlay_start_0:
0x88: {  	s2 =	sld [smem:$0x3FD9]  }
0x89: {  	s3 =	sld [smem:$0x3FFE];
	_ =	sdelay $0x1  }
0x8a: {  	s1 =	srdreg.scid  }
0x8b: {  	s0 =	sand.u32 $0x1, s1  }
0x8c: {  	s17 =	sshll.u32 s0, $0xA;
	s2 =	sadd.s32 s3, s2  }
0x8d: {  	s2 =	sadd.s32 s2, s17  }
0x8e: {  	[smem:$0x3FBD] =	sst s2  }
0x8f: {  	_ = 	snop  }
0x90: {  	s2 =	sld [smem:$0x3FD0];
	(tm) =	ssettm $0x1  }
0x91: {  	s18 =	sld [smem:$0x3FFB];
	_ =	sdelay $0x3  }
0x92: {  	_ =	strace s18  }
0x93: {  	s3 =	sld [smem:$0x3FFC];
	_ =	sdelay $0x3  }
0x94: {  	_ =	strace s3  }
0x95: {  	s3 =	sld [smem:$0x3FFD];
	_ =	sdelay $0x3  }
0x96: {  	_ =	strace s3  }
0x97: {  	_ =	strace $0x8FFFFFFF  }
0x98: {  	s19 =	sld [smem:$0x3FDB];
	_ =	sdelay $0x1  }
0x99: {  	s4 =	simm.s32 $_scs_section_size  }
0x9a: {  	s5 =	simm.s32 $_size__tile_overlayer_lowered;
	s6 =	simm.s32 $_tile_overlayer_lowered  }
0x9b: {  	s22 =	simm.s32 $0x1BFF;
	s21 =	sshll.u32 s6, $0x1;
	s3 =	sadd.s32 s4, s19  }
0x9c: {  	s7 =	simm.s32 $0x0;
	s20 =	sshll.u32 s5, $0x1;
	s5 =	sadd.s32 s21, s3  }
0x9d: {  	[timem:s7], [sflag:s22] =	dma.local [hbm:s5], s20  }
0x9e: {  	_ =	swait.ge [sflag:s22], s20  }
0x9f: {  	s4 =	ssub.s32 $0x0, s20;
	[sflag:s22] =	ssyncset.done $0x0  }
0xa0: {  	[sflag:s22] =	ssyncadd.s32 s4;
	_ =	sdelay $0x1  }
0xa1: {  	s23 =	simm.s32 $0x1B8B  }
0xa2: {  	_ =	swait.ge [sflag:s23], $0x1  }
0xa3: {  	[sflag:s23] =	ssyncset.done $0x0  }
0xa4: {  	s25 =	simm.s32 $0x1B8E;
	s24 =	sld [smem:$0x3FFE];
	[sflag:s23] =	ssyncadd.s32 $0xFFFFFFFF  }
0xa5: {  	s26 =	simm.s32 $execute0_lowered;
	[smem:$0x3FD2] =	sst s25  }
0xa6: {  	s5 =	sshll.u32 s26, $0x1;
	_ =	strace $0x80000046;
	[dreg:$0x1] =	wrdreg $0xFFFFFFFF  }
0xa7: {  	s28 =	simm.s32 $_size_execute0_lowered;
	s3 =	sadd.s32 s3, s5;
	[dreg:$0x0] =	wrdreg $0x0  }
0xa8: {  	s5 =	sshll.u32 s28, $0x1;
	[dreg:$0x2] =	wrdreg s3  }
0xa9: {  	[dreg:$0x3] =	wrdreg s5  }
0xaa: {  	[dreg:$0x4] =	wrdreg $0xC0  }
0xab: {  	_ =	task [dreg:s7], $0x5FFFF  }
0xac: {  	[dreg:$0x1] =	wrdreg $0xFFFFFFFF  }
0xad: {  	[dreg:$0x0] =	wrdreg $0x60  }
0xae: {  	[dreg:$0x2] =	wrdreg s24  }
0xaf: {  	[dreg:$0x3] =	wrdreg s2  }
0xb0: {  	[dreg:$0x4] =	wrdreg $0x9  }
0xb1: {  	_ =	task.clear_ibuf [dreg:s7], $0x5FFFF;
	_ =	strace $0x90000046  }
0xb2: {  	s29 =	simm.s32 $0x9;
	_ =	strace $0x80000048  }
0xb3: {  	_ =	swait.ge [sflag:s29], $0x1  }
0xb4: {  	[sflag:s29] =	ssyncadd.s32 $0xFFFFFFFF  }
0xb5: {  	_ =	strace $0x90000048  }
0xb6: {  	_ =	sfence  }
0xb7: {  	s30 =	sld [smem:$0x0];
	_ =	sdelay $0x2  }
0xb8: {  	s31 =	sshll.u32 s1, $0xD;
	s1 =	sshrl.u32 s1, $0x2  }
0xb9: {  	s3 =	sand.u32 $0x4000, s31;
	s1 =	sadd.s32 s1, s30  }
0xba: {  	s0 =	sor.u32 s3, s0;
	s1 =	sshll.u32 s1, $0x11  }
0xbb: {  	s0 =	sor.u32 s1, s0  }
0xbc: {  	s0 =	sadd.s32 $0x8F2B, s0  }
0xbd: {  	[sflag:s0] =	ssyncadd.remote.s32 $0x1  }
0xbe: {  	_ =	sfence.sel $0xFFFF  }
0xbf: {  	[dreg:$0x0] =	wrdreg $0xFFFFFFFF;
	(pc) =	sbr.abs _section_cstart, $3  }
0xc0: {  	[dreg:$0x1] =	wrdreg $0xFFFFFFFF  }
0xc1: {  	_ =	task.clear_ibuf [dreg:s7], $0x2FFFF;
	_ =	strace $0x9FFFFFFF  }
0xc2: {  	(tm) =	ssettm $0x7FFFFFFF  }
0xc3: {  	_ =	shalt  }
tec
execute0_lowered:
.L_overlay_start_1:
0x0: {  	(tag) =	ssettag $0x1  }
0x1: {  	s1 =	srdreg.scid;
	s5 =	rddreg [dreg:$0x0]  }
0x2: {  	s0 =	stileid.u32;
	s2 =	rddreg [dreg:$0x1]  }
0x3: {  	s3 =	simm.s32 $0x0;
	s4 =	sand.u32 $0x1, s1;
	s30 =	sshll.u32 s0, $0x1  }
0x4: {  	s11 =	simm.s32 $0x1;
	s12 =	simm.s32 $0x6200;
	s1 =	sor.u32 s4, s30  }
0x5: {  	s13 =	simm.s32 $0x12580;
	s14 =	simm.s32 $0x0;
	s6 =	smul.u32 $0x6200, s1  }
0x6: {  	[smem:$0x7FF] =	sst s3;
	s8 =	sadd.s32 $0x30D4, s2;
	s4 =	ssub.s32 $0x2, s4  }
0x7: {  	s1 =	rddreg [dreg:$0x2];
	s31 =	sshrl.u32 s4, $0x1;
	s6 =	sshrl.u32 s6, $0x3  }
0x8: {  	_ =	strace $0x80000047;
	s10 =	ssub.s32 s4, s31;
	s9 =	sadd.s32 s6, s5  }
0x9: {  	s10 =	smax.u32 s10, $0x1;
	s6 =	sadd.s32 $0x186A, s2;
	s4 =	sadd.s32 $0x1E00, s9  }
0xa: {  	s5 =	sadd.s32 $0x1A600, s9;
	s7 =	sadd.s32 $0x32E00, s9;
	s9 =	sadd.s32 $0x4B600, s9  }
.LBB2_1:
0xb: {  	[tilespmem:s3], [sflag:$0x1] =	stream.linear.gather [hbm4b:s4+s3], $0x6200, $0x38;
	[tilespmem:$0x18780] =	vst v63  }
0xc: {  	_ =	swait.ge [sflag:s11], $0x6200  }
0xd: {  	[sflag:s11] =	ssyncset.done $0x0  }
0xe: {  	[sflag:s11] =	ssyncadd.s32 $0xFFFF9E00  }
0xf: {  	[tilespmem:s12], [sflag:$0x1] =	stream.linear.gather [hbm4b:s2+s3], $0xC350, $0x38;
	[tilespmem:$0x18780] =	vst v63  }
0x10: {  	_ =	swait.ge [sflag:s11], $0xC350  }
0x11: {  	[sflag:s11] =	ssyncset.done $0x0  }
0x12: {  	s15 =	simm.s32 $0x0;
	[sflag:s11] =	ssyncadd.s32 $0xFFFF3CB0  }
0x13: {  	v0 =	vld [tilespmem:s15+$0x0];
	_ =	sdelay $0x7  }
0x14: {  	s16 =	simm.s32 $0x10;
	s17 =	simm.s32 $0x80;
	v0 =	vld.idx.msk [tilespmem:v0+s12+$0x0], $0xffff  }
.LBB2_2:
0x15: {  	p0 =	sne.s32 s17, $0x187C0;
	v1 =	vld [tilespmem:s16+$0x0];
	_ =	sdelay $0x3  }
.Ltmp0:
0x16: {  	(pc) =	sbr.rel @p0 .LBB2_2-.Ltmp0, $2  }
0x17: {  	[tilespmem:s15+$0x12580] =	vst v0;
	s15 =	smov.u32 s16;
	_ =	sdelay $0x2  }
0x18: {  	s16 =	sshra.s32 s17, $0x2;
	s17 =	sadd.s32 $0x40, s17;
	v0 =	vld.idx.msk [tilespmem:v1+s12+$0x0], $0xffff  }
0x19: {  	v1 =	vld [tilespmem:s16+$0x0];
	_ =	sdelay $0x6  }
0x1a: {  	[tilespmem:s15+$0x12580] =	vst v0  }
0x1b: {  	v0 =	vld.idx.msk [tilespmem:v1+s12+$0x0], $0xffff;
	_ =	sdelay $0x4  }
0x1c: {  	s31 =	simm.s32 $0x0;
	[tilespmem:s16+$0x12580] =	vst v0  }
0x1d: {  	[hbm4b:s5+s31] =	stream.linear.scatter [tilespmem:s13], [sflag:$0x1], $0x6200, $0x38;
	[tilespmem:$0x18780] =	vst v63  }
0x1e: {  	_ =	swait.ge [sflag:s11], $0x6200  }
0x1f: {  	[sflag:s11] =	ssyncset.done $0x0  }
0x20: {  	[sflag:s11] =	ssyncadd.s32 $0xFFFF9E00  }
0x21: {  	[tilespmem:s12], [sflag:$0x1] =	stream.linear.gather [hbm4b:s6+s31], $0xC350, $0x38;
	[tilespmem:$0x18780] =	vst v63  }
0x22: {  	_ =	swait.ge [sflag:s11], $0xC350  }
0x23: {  	[sflag:s11] =	ssyncset.done $0x0  }
0x24: {  	s15 =	simm.s32 $0x0;
	[sflag:s11] =	ssyncadd.s32 $0xFFFF3CB0  }
0x25: {  	v0 =	vld [tilespmem:s15+$0x0];
	_ =	sdelay $0x7  }
0x26: {  	s17 =	simm.s32 $0x80;
	s16 =	simm.s32 $0x10;
	v0 =	vld.idx.msk [tilespmem:v0+s12+$0x0], $0xffff  }
.LBB2_4:
0x27: {  	p0 =	sne.s32 s17, $0x187C0;
	v1 =	vld [tilespmem:s16+$0x0];
	_ =	sdelay $0x3  }
.Ltmp1:
0x28: {  	(pc) =	sbr.rel @p0 .LBB2_4-.Ltmp1, $2  }
0x29: {  	[tilespmem:s15+$0x12580] =	vst v0;
	s15 =	smov.u32 s16;
	_ =	sdelay $0x2  }
0x2a: {  	s16 =	sshra.s32 s17, $0x2;
	s17 =	sadd.s32 $0x40, s17;
	v0 =	vld.idx.msk [tilespmem:v1+s12+$0x0], $0xffff  }
0x2b: {  	v1 =	vld [tilespmem:s16+$0x0];
	_ =	sdelay $0x6  }
0x2c: {  	[tilespmem:s15+$0x12580] =	vst v0  }
0x2d: {  	v0 =	vld.idx.msk [tilespmem:v1+s12+$0x0], $0xffff;
	_ =	sdelay $0x4  }
0x2e: {  	s31 =	simm.s32 $0x0;
	[tilespmem:s16+$0x12580] =	vst v0  }
0x2f: {  	[hbm4b:s7+s31] =	stream.linear.scatter [tilespmem:s13], [sflag:$0x1], $0x6200, $0x38;
	[tilespmem:$0x18780] =	vst v63  }
0x30: {  	_ =	swait.ge [sflag:s11], $0x6200  }
0x31: {  	[sflag:s11] =	ssyncset.done $0x0  }
0x32: {  	[sflag:s11] =	ssyncadd.s32 $0xFFFF9E00  }
0x33: {  	[tilespmem:s12], [sflag:$0x1] =	stream.linear.gather [hbm4b:s8+s31], $0xC350, $0x38;
	[tilespmem:$0x18780] =	vst v63  }
0x34: {  	_ =	swait.ge [sflag:s11], $0xC350  }
0x35: {  	[sflag:s11] =	ssyncset.done $0x0  }
0x36: {  	s15 =	simm.s32 $0x0;
	[sflag:s11] =	ssyncadd.s32 $0xFFFF3CB0  }
0x37: {  	v0 =	vld [tilespmem:s15+$0x0];
	_ =	sdelay $0x7  }
0x38: {  	s17 =	simm.s32 $0x80;
	s16 =	simm.s32 $0x10;
	v0 =	vld.idx.msk [tilespmem:v0+s12+$0x0], $0xffff  }
.LBB2_6:
0x39: {  	p0 =	sne.s32 s17, $0x187C0;
	v1 =	vld [tilespmem:s16+$0x0];
	_ =	sdelay $0x3  }
.Ltmp2:
0x3a: {  	(pc) =	sbr.rel @p0 .LBB2_6-.Ltmp2, $2  }
0x3b: {  	[tilespmem:s15+$0x12580] =	vst v0;
	s15 =	smov.u32 s16;
	_ =	sdelay $0x2  }
0x3c: {  	s16 =	sshra.s32 s17, $0x2;
	s17 =	sadd.s32 $0x40, s17;
	v0 =	vld.idx.msk [tilespmem:v1+s12+$0x0], $0xffff  }
0x3d: {  	v1 =	vld [tilespmem:s16+$0x0];
	_ =	sdelay $0x6  }
0x3e: {  	[tilespmem:s15+$0x12580] =	vst v0  }
0x3f: {  	v0 =	vld.idx.msk [tilespmem:v1+s12+$0x0], $0xffff;
	_ =	sdelay $0x2  }
0x40: {  	s14 =	sadd.s32 $0x1, s14  }
0x41: {  	p0 =	sne.s32 s14, s10  }
.Ltmp3:
0x42: {  	[tilespmem:s16+$0x12580] =	vst v0;
	(pc) =	sbr.rel @p0 .LBB2_1-.Ltmp3, $4  }
0x43: {  	[hbm4b:s9+s3] =	stream.linear.scatter [tilespmem:s13], [sflag:$0x1], $0x6200, $0x38;
	[tilespmem:$0x18780] =	vst v63  }
0x44: {  	_ =	swait.ge [sflag:s11], $0x6200  }
0x45: {  	[sflag:s11] =	ssyncset.done $0x0  }
0x46: {  	[sflag:s11] =	ssyncadd.s32 $0xFFFF9E00  }
0x47: {  	_ =	sfence.sel $0x180000  }
0x48: {  	[bflag:$0x0] =	sbarrier.arrive $0xFFFF  }
0x49: {  	p0 =	sne.s32 s0, $0x0;
	_ =	strace $0x90000047  }
0x4a: {  	s0 =	sadd.s32 @!p0 $0x100000, s1;
	[bflag:$0x2] =	sbarrier.arrive $0xFFFF  }
0x4b: {  	[sflag:s0] =	ssyncadd.tile.s32 @!p0 $0x1;
	_ =	shalt  }
.Lfunc_end2:
_tile_overlayer_lowered:
.L_overlay_start_2:
0x4c: {  	(tag) =	ssettag $0x2  }
0x4d: {  	s0 =	rddreg [dreg:$0x0];
	s2 =	stileid.u32  }
0x4e: {  	s1 =	rddreg [dreg:$0x1];
	p0 =	sne.s32 s2, $0x0  }
0x4f: {  	s3 =	rddreg [dreg:$0x2];
	[bflag:$0x3] =	sbarrier.arrive $0xFFFF;
	s2 =	simm.s32 @!p0 $0x1C01  }
0x50: {  	[timem:s3], [sflag:s2] =	dma.local @!p0 [hbm:s0], s1  }
0x51: {  	s0 =	simm.s32 @!p0 $0x1  }
0x52: {  	_ =	swait.ge @!p0 [sflag:s0], s1  }
0x53: {  	s1 =	ssub.s32 @!p0 $0x0, s1;
	[sflag:s0] =	ssyncset.done @!p0 $0x0  }
0x54: {  	[sflag:s0] =	ssyncadd.s32 @!p0 s1  }
0x55: {  	[bflag:$0x3] =	sbarrier.arrive $0xFFFF  }
0x56: {  	_ =	shalt  }

</sc_bundles>
